<compile_context>
chip_gen: v7x
topology: tpu7x:2x2x1
jax: 0.10.2.dev20260603
libtpu: 0.0.44.dev20260713+nightly
codegen_flags: <defaults>
</compile_context>

<pallas_src>
import functools

import jax
import jax.numpy as jnp
from jax import lax
from jax.experimental import pallas as pl
from jax.experimental.pallas import tpu as pltpu
from jax.experimental.pallas import tpu_sc as plsc

_EPS = 0.1
_KSEL = 34


def _u32(v):
    return jnp.uint32(v)


def _kth_kernel(st_ref, z_ref, out_ref, h_ref, l_ref):
    d = st_ref.shape[0]
    lanes = out_ref.shape[-1]
    nchunk = 8
    c = d // nchunk
    for i in range(nchunk):
        sl = pl.ds(i * c, c)
        x = st_ref[sl, :] + _EPS * z_ref[sl, :]
        ub = jax.lax.bitcast_convert_type(x, jnp.uint32)
        flip = jnp.where(ub >= _u32(0x80000000), _u32(0xFFFFFFFF),
                         _u32(0x80000000))
        u = ub ^ flip
        h_ref[sl, :] = ((u >> 16) ^ _u32(0x8000)).astype(jnp.int16)
        l_ref[sl, :] = ((u & _u32(0xFFFF)) ^ _u32(0x8000)).astype(jnp.int16)

    ones_bf = jnp.ones((1, d), jnp.bfloat16)

    def _count(m):
        mb = jnp.where(m, jnp.bfloat16(1), jnp.bfloat16(0))
        return jax.lax.dot_general(
            ones_bf, mb, (((1,), (0,)), ((), ())),
            preferred_element_type=jnp.float32)

    def _count_ge(t16):
        return _count(h_ref[...] >= t16)

    def body_a(i, prefix):
        trial = prefix | (_u32(0x8000) >> i)
        t16 = (trial ^ _u32(0x8000)).astype(jnp.int16)
        return jnp.where(_count_ge(t16) >= float(_KSEL), trial, prefix)

    p16 = jnp.zeros((1, lanes), jnp.uint32)
    for i in range(16):
        p16 = body_a(i, p16)
    p16s = (p16 ^ _u32(0x8000)).astype(jnp.int16)

    cgt = _count(h_ref[...] > p16s)
    jrank = float(_KSEL) - cgt

    for i in range(nchunk):
        sl = pl.ds(i * c, c)
        h_ref[sl, :] = jnp.where(h_ref[sl, :] == p16s, l_ref[sl, :],
                                 jnp.int16(-32768))

    def body_b(i, prefix):
        trial = prefix | (_u32(0x8000) >> i)
        t16 = (trial ^ _u32(0x8000)).astype(jnp.int16)
        return jnp.where(_count_ge(t16) >= jrank, trial, prefix)

    plo = jnp.zeros((1, lanes), jnp.uint32)
    for i in range(16):
        plo = body_b(i, plo)

    key = (p16 << 16) | plo
    flip2 = jnp.where(key >= _u32(0x80000000), _u32(0x80000000),
                      _u32(0xFFFFFFFF))
    out_ref[...] = jax.lax.bitcast_convert_type(key ^ flip2,
                                                jnp.float32)[None]


def _make_sc_loss(B, D, N):
    mesh = plsc.VectorSubcoreMesh(core_axis_name="c", subcore_axis_name="s")
    L = 16

    @functools.partial(
        pl.kernel, mesh=mesh,
        out_type=jax.ShapeDtypeStruct((L,), jnp.float32),
        scratch_types=[
            pltpu.VMEM((B,), jnp.int32),
            pltpu.VMEM((B,), jnp.float32),
            pltpu.VMEM((B * N,), jnp.float32),
            pltpu.VMEM((L,), jnp.float32),
            pltpu.SemaphoreType.DMA,
        ],
    )
    def _sc_loss(kth_hbm, s_hbm, y_hbm, out_hbm, idx_v, corr_v, kth_v,
                 out_v, sem):
        cid = lax.axis_index("c")
        sid = lax.axis_index("s")

        @pl.when((cid == 0) & (sid == 0))
        def _():
            pltpu.sync_copy(y_hbm, idx_v)
            for j in range(B // L):
                yv = idx_v[pl.ds(j * L, L)]
                base = (j * L) * D
                idx_v[pl.ds(j * L, L)] = (
                    yv + base + lax.iota(jnp.int32, L) * D)
            pltpu.async_copy(s_hbm.at[idx_v], corr_v, sem).wait()
            pltpu.sync_copy(kth_hbm, kth_v)
            acc16 = jnp.zeros((L,), jnp.float32)
            for j in range(B // L):
                sk = jnp.zeros((L,), jnp.float32)
                for n in range(N):
                    sk = sk + kth_v[pl.ds(n * B + j * L, L)]
                corr = corr_v[pl.ds(j * L, L)]
                acc16 = acc16 + jnp.maximum(
                    1.0 + sk * (1.0 / N) - corr, 0.0)
            out_v[...] = acc16 * (1.0 / B)
            pltpu.sync_copy(out_v, out_hbm)

    return _sc_loss


def kernel(s, y, Z):
    B, D = s.shape
    N = Z.shape[2]
    R = B * N
    LB = 128
    nblk = R // LB
    reps = LB // B

    st = jnp.concatenate([s.T] * reps, axis=1)

    zt = jnp.transpose(Z, (1, 2, 0)).reshape(D, R)
    kth_blocks = pl.pallas_call(
        _kth_kernel,
        grid=(nblk,),
        in_specs=[
            pl.BlockSpec((D, LB), lambda i: (0, 0)),
            pl.BlockSpec((D, LB), lambda i: (0, i)),
        ],
        out_specs=pl.BlockSpec((1, 1, LB), lambda i: (i, 0, 0)),
        out_shape=jax.ShapeDtypeStruct((nblk, 1, LB), jnp.float32),
        scratch_shapes=[pltpu.VMEM((D, LB), jnp.int16),
                        pltpu.VMEM((D, LB), jnp.int16)],
    )(st, zt)

    kth_flat = kth_blocks.reshape(R)
    loss_vec = _make_sc_loss(B, D, N)(
        kth_flat, s.reshape(B * D), y.astype(jnp.int32))
    return jnp.sum(loss_vec)

# --- scband reference (transcript-rebuilt; emitter-appended) ---
"""Pipeline reference for scband-balanced-noise-top-kloss-14078902796489 (READ-ONLY COPY).

The authoritative reference and input builder live on the scoring server;
editing this copy changes nothing except your own understanding.
"""

import jax, jax.numpy as jnp
import numpy as np

K = 32
EPSILON = 0.1
N_SAMPLE = 16


def setup_inputs(seed: int = 0) -> dict:
    key = jax.random.key(seed)
    k1, k2, k3 = jax.random.split(key, 3)
    s = jax.random.normal(k1, (64, 8192), dtype=jnp.float32)
    y = jax.random.randint(k2, (64,), 0, 8192, dtype=jnp.int32)
    # Z is the noise tensor that the torch module draws internally each forward;
    # materialized here for determinism.
    Z = jax.random.normal(k3, (64, 8192, N_SAMPLE), dtype=jnp.float32)
    return {"s": s, "y": y, "Z": Z}


def soft_topk(x, Z, k, epsilon):
    # x: [B, d], Z: [B, d, n_sample]
    noised = x[:, :, None] + epsilon * Z  # [B, d, n]
    t = jnp.transpose(noised, (0, 2, 1))  # [B, n, d]
    values, indices = jax.lax.top_k(t, k + 1)  # sorted descending, matches torch.topk
    noised_kth_value = values[:, :, -1]  # [B, n]
    return jnp.mean(noised_kth_value, axis=-1)  # [B]


def reference(s, y, Z):
    k = K
    epsilon = EPSILON
    correct_scores = jnp.squeeze(jnp.take_along_axis(s, y[:, None].astype(jnp.int32), axis=1))  # [B]
    skp1 = soft_topk(s, Z, k + 1, epsilon)  # note: loss calls softtopk with k+1 -> top_k of k+2 inside
    num = jax.nn.relu(jnp.ones_like(skp1) + skp1 - correct_scores)
    return jnp.mean(num)

if __name__ == "__main__":
    import jax
    _d = setup_inputs()
    print(jax.jit(kernel)(*tuple(_d.values())))

</pallas_src>

<mosaic_0001>
#map = affine_map<(d0, d1) -> (0)>
module attributes {stable_mosaic.version = 14 : i64} {
  func.func @_sc_loss(%arg0: i32, %arg1: i32, %arg2: memref<1024xf32, #tpu.memory_space<hbm>>, %arg3: memref<524288xf32, #tpu.memory_space<hbm>>, %arg4: memref<64xi32, #tpu.memory_space<hbm>>, %arg5: memref<16xf32, #tpu.memory_space<hbm>>, %arg6: memref<64xi32, #tpu.memory_space<vmem>>, %arg7: memref<64xf32, #tpu.memory_space<vmem>>, %arg8: memref<1024xf32, #tpu.memory_space<vmem>>, %arg9: memref<16xf32, #tpu.memory_space<vmem>>, %arg10: memref<!tpu.dma_semaphore, #tpu.memory_space<semaphore_mem>>) attributes {dimension_semantics = [#tpu.dimension_semantics<core_parallel>, #tpu.dimension_semantics<subcore_parallel>], iteration_bounds = array<i64: 2, 16>, scalar_prefetch = 0 : i64, scratch_operands = 5 : i64, tpu.core_type = #tpu.core_type<sc_vector_subcore>, window_params = [{transform_indices = #map}, {transform_indices = #map}, {transform_indices = #map}, {transform_indices = #map}]} {
    %eq3A = arith.constant 0 : i32
    %eq3A_0 = arith.cmpi eq, %arg0, %eq3A : i32
    %eq3A_1 = arith.constant 0 : i32
    %eq3A_2 = arith.cmpi eq, %arg1, %eq3A_1 : i32
    %and3A = arith.andi %eq3A_0, %eq3A_2 : i1
    %convert_element_type3A = arith.extui %and3A : i1 to i32
    %cond3A = arith.constant 0 : i32
    %cond3A_3 = arith.cmpi ne, %convert_element_type3A, %cond3A : i32
    scf.if %cond3A_3 {
      "tpu.region"() ({
        %run_scoped3A = tpu.sem_alloc : memref<!tpu.dma_semaphore, #tpu.memory_space<semaphore_mem>>
        tpu.enqueue_dma source(%arg4 : memref<64xi32, #tpu.memory_space<hbm>>) target(%arg6 : memref<64xi32, #tpu.memory_space<vmem>>) target_semaphore(%run_scoped3A : memref<!tpu.dma_semaphore, #tpu.memory_space<semaphore_mem>>)
        tpu.wait_dma2 semaphore(%run_scoped3A : memref<!tpu.dma_semaphore, #tpu.memory_space<semaphore_mem>>) src(%arg4 : memref<64xi32, #tpu.memory_space<hbm>>) dst(%arg6 : memref<64xi32, #tpu.memory_space<vmem>>)
        tpu.yield
      }) : () -> ()
      %get3A = arith.constant 0 : index
      %get3A_4 = tpu.vector_load %arg6[%get3A] {strides = array<i32>} : memref<64xi32, #tpu.memory_space<vmem>>, vector<16xi32>,
      %get3A_5 = vector.shape_cast %get3A_4 : vector<16xi32> to vector<16xi32>
      %add3A = arith.constant 0 : i32
      %add3A_6 = vector.broadcast %add3A : i32 to vector<16xi32>
      %add3A_7 = arith.addi %get3A_5, %add3A_6 : vector<16xi32>
      %iota3A = tpu.iota {dimensions = array<i32: 0>} : vector<16xi32>
      %mul3A = arith.constant 8192 : i32
      %mul3A_8 = vector.broadcast %mul3A : i32 to vector<16xi32>
      %mul3A_9 = arith.muli %iota3A, %mul3A_8 : vector<16xi32>
      %add3A_10 = arith.addi %add3A_7, %mul3A_9 : vector<16xi32>
      %swap3A = arith.constant 0 : index
      %swap3A_11 = tpu.vector_load %arg6[%swap3A] {strides = array<i32>} : memref<64xi32, #tpu.memory_space<vmem>>, vector<16xi32>,
      %swap3A_12 = vector.shape_cast %swap3A_11 : vector<16xi32> to vector<16xi32>
      %swap3A_13 = vector.shape_cast %add3A_10 : vector<16xi32> to vector<16xi32>
      tpu.vector_store %arg6[%swap3A], %swap3A_13 {strides = array<i32>} : memref<64xi32, #tpu.memory_space<vmem>>, vector<16xi32>,
      %get3A_14 = arith.constant 16 : index
      %get3A_15 = tpu.vector_load %arg6[%get3A_14] {strides = array<i32>} : memref<64xi32, #tpu.memory_space<vmem>>, vector<16xi32>,
      %get3A_16 = vector.shape_cast %get3A_15 : vector<16xi32> to vector<16xi32>
      %add3A_17 = arith.constant 131072 : i32
      %add3A_18 = vector.broadcast %add3A_17 : i32 to vector<16xi32>
      %add3A_19 = arith.addi %get3A_16, %add3A_18 : vector<16xi32>
      %iota3A_20 = tpu.iota {dimensions = array<i32: 0>} : vector<16xi32>
      %mul3A_21 = arith.constant 8192 : i32
      %mul3A_22 = vector.broadcast %mul3A_21 : i32 to vector<16xi32>
      %mul3A_23 = arith.muli %iota3A_20, %mul3A_22 : vector<16xi32>
      %add3A_24 = arith.addi %add3A_19, %mul3A_23 : vector<16xi32>
      %swap3A_25 = arith.constant 16 : index
      %swap3A_26 = tpu.vector_load %arg6[%swap3A_25] {strides = array<i32>} : memref<64xi32, #tpu.memory_space<vmem>>, vector<16xi32>,
      %swap3A_27 = vector.shape_cast %swap3A_26 : vector<16xi32> to vector<16xi32>
      %swap3A_28 = vector.shape_cast %add3A_24 : vector<16xi32> to vector<16xi32>
      tpu.vector_store %arg6[%swap3A_25], %swap3A_28 {strides = array<i32>} : memref<64xi32, #tpu.memory_space<vmem>>, vector<16xi32>,
      %get3A_29 = arith.constant 32 : index
      %get3A_30 = tpu.vector_load %arg6[%get3A_29] {strides = array<i32>} : memref<64xi32, #tpu.memory_space<vmem>>, vector<16xi32>,
      %get3A_31 = vector.shape_cast %get3A_30 : vector<16xi32> to vector<16xi32>
      %add3A_32 = arith.constant 262144 : i32
      %add3A_33 = vector.broadcast %add3A_32 : i32 to vector<16xi32>
      %add3A_34 = arith.addi %get3A_31, %add3A_33 : vector<16xi32>
      %iota3A_35 = tpu.iota {dimensions = array<i32: 0>} : vector<16xi32>
      %mul3A_36 = arith.constant 8192 : i32
      %mul3A_37 = vector.broadcast %mul3A_36 : i32 to vector<16xi32>
      %mul3A_38 = arith.muli %iota3A_35, %mul3A_37 : vector<16xi32>
      %add3A_39 = arith.addi %add3A_34, %mul3A_38 : vector<16xi32>
      %swap3A_40 = arith.constant 32 : index
      %swap3A_41 = tpu.vector_load %arg6[%swap3A_40] {strides = array<i32>} : memref<64xi32, #tpu.memory_space<vmem>>, vector<16xi32>,
      %swap3A_42 = vector.shape_cast %swap3A_41 : vector<16xi32> to vector<16xi32>
      %swap3A_43 = vector.shape_cast %add3A_39 : vector<16xi32> to vector<16xi32>
      tpu.vector_store %arg6[%swap3A_40], %swap3A_43 {strides = array<i32>} : memref<64xi32, #tpu.memory_space<vmem>>, vector<16xi32>,
      %get3A_44 = arith.constant 48 : index
      %get3A_45 = tpu.vector_load %arg6[%get3A_44] {strides = array<i32>} : memref<64xi32, #tpu.memory_space<vmem>>, vector<16xi32>,
      %get3A_46 = vector.shape_cast %get3A_45 : vector<16xi32> to vector<16xi32>
      %add3A_47 = arith.constant 393216 : i32
      %add3A_48 = vector.broadcast %add3A_47 : i32 to vector<16xi32>
      %add3A_49 = arith.addi %get3A_46, %add3A_48 : vector<16xi32>
      %iota3A_50 = tpu.iota {dimensions = array<i32: 0>} : vector<16xi32>
      %mul3A_51 = arith.constant 8192 : i32
      %mul3A_52 = vector.broadcast %mul3A_51 : i32 to vector<16xi32>
      %mul3A_53 = arith.muli %iota3A_50, %mul3A_52 : vector<16xi32>
      %add3A_54 = arith.addi %add3A_49, %mul3A_53 : vector<16xi32>
      %swap3A_55 = arith.constant 48 : index
      %swap3A_56 = tpu.vector_load %arg6[%swap3A_55] {strides = array<i32>} : memref<64xi32, #tpu.memory_space<vmem>>, vector<16xi32>,
      %swap3A_57 = vector.shape_cast %swap3A_56 : vector<16xi32> to vector<16xi32>
      %swap3A_58 = vector.shape_cast %add3A_54 : vector<16xi32> to vector<16xi32>
      tpu.vector_store %arg6[%swap3A_55], %swap3A_58 {strides = array<i32>} : memref<64xi32, #tpu.memory_space<vmem>>, vector<16xi32>,
      %dma_start3A = arith.constant 0 : i32
      %dma_start3A_59 = tpu.memref_slice %arg3[%dma_start3A] : memref<524288xf32, #tpu.memory_space<hbm>> -> memref<524288xf32, #tpu.memory_space<hbm>>
      tpu.enqueue_indirect_dma source(%dma_start3A_59 : memref<524288xf32, #tpu.memory_space<hbm>>) target(%arg7 : memref<64xf32, #tpu.memory_space<vmem>>) offsets(%arg6 : memref<64xi32, #tpu.memory_space<vmem>>) semaphore(%arg10 : memref<!tpu.dma_semaphore, #tpu.memory_space<semaphore_mem>>)
      %dma_wait3A = arith.constant 0 : i32
      %dma_wait3A_60 = tpu.memref_slice %arg3[%dma_wait3A] : memref<524288xf32, #tpu.memory_space<hbm>> -> memref<524288xf32, #tpu.memory_space<hbm>>
      tpu.wait_indirect_dma semaphore(%arg10 : memref<!tpu.dma_semaphore, #tpu.memory_space<semaphore_mem>>) src(%dma_wait3A_60 : memref<524288xf32, #tpu.memory_space<hbm>>) dst(%arg7 : memref<64xf32, #tpu.memory_space<vmem>>)
      "tpu.region"() ({
        %run_scoped3A = tpu.sem_alloc : memref<!tpu.dma_semaphore, #tpu.memory_space<semaphore_mem>>
        tpu.enqueue_dma source(%arg2 : memref<1024xf32, #tpu.memory_space<hbm>>) target(%arg8 : memref<1024xf32, #tpu.memory_space<vmem>>) target_semaphore(%run_scoped3A : memref<!tpu.dma_semaphore, #tpu.memory_space<semaphore_mem>>)
        tpu.wait_dma2 semaphore(%run_scoped3A : memref<!tpu.dma_semaphore, #tpu.memory_space<semaphore_mem>>) src(%arg2 : memref<1024xf32, #tpu.memory_space<hbm>>) dst(%arg8 : memref<1024xf32, #tpu.memory_space<vmem>>)
        tpu.yield
      }) : () -> ()
      %broadcast_in_dim3A = arith.constant 0.000000e+00 : f32
      %broadcast_in_dim3A_61 = vector.broadcast %broadcast_in_dim3A : f32 to vector<16xf32>
      %broadcast_in_dim3A_62 = arith.constant 0.000000e+00 : f32
      %broadcast_in_dim3A_63 = vector.broadcast %broadcast_in_dim3A_62 : f32 to vector<16xf32>
      %get3A_64 = arith.constant 0 : index
      %get3A_65 = tpu.vector_load %arg8[%get3A_64] {strides = array<i32>} : memref<1024xf32, #tpu.memory_space<vmem>>, vector<16xf32>,
      %get3A_66 = vector.shape_cast %get3A_65 : vector<16xf32> to vector<16xf32>
      %add3A_67 = arith.addf %broadcast_in_dim3A_63, %get3A_66 : vector<16xf32>
      %get3A_68 = arith.constant 64 : index
      %get3A_69 = tpu.vector_load %arg8[%get3A_68] {strides = array<i32>} : memref<1024xf32, #tpu.memory_space<vmem>>, vector<16xf32>,
      %get3A_70 = vector.shape_cast %get3A_69 : vector<16xf32> to vector<16xf32>
      %add3A_71 = arith.addf %add3A_67, %get3A_70 : vector<16xf32>
      %get3A_72 = arith.constant 128 : index
      %get3A_73 = tpu.vector_load %arg8[%get3A_72] {strides = array<i32>} : memref<1024xf32, #tpu.memory_space<vmem>>, vector<16xf32>,
      %get3A_74 = vector.shape_cast %get3A_73 : vector<16xf32> to vector<16xf32>
      %add3A_75 = arith.addf %add3A_71, %get3A_74 : vector<16xf32>
      %get3A_76 = arith.constant 192 : index
      %get3A_77 = tpu.vector_load %arg8[%get3A_76] {strides = array<i32>} : memref<1024xf32, #tpu.memory_space<vmem>>, vector<16xf32>,
      %get3A_78 = vector.shape_cast %get3A_77 : vector<16xf32> to vector<16xf32>
      %add3A_79 = arith.addf %add3A_75, %get3A_78 : vector<16xf32>
      %get3A_80 = arith.constant 256 : index
      %get3A_81 = tpu.vector_load %arg8[%get3A_80] {strides = array<i32>} : memref<1024xf32, #tpu.memory_space<vmem>>, vector<16xf32>,
      %get3A_82 = vector.shape_cast %get3A_81 : vector<16xf32> to vector<16xf32>
      %add3A_83 = arith.addf %add3A_79, %get3A_82 : vector<16xf32>
      %get3A_84 = arith.constant 320 : index
      %get3A_85 = tpu.vector_load %arg8[%get3A_84] {strides = array<i32>} : memref<1024xf32, #tpu.memory_space<vmem>>, vector<16xf32>,
      %get3A_86 = vector.shape_cast %get3A_85 : vector<16xf32> to vector<16xf32>
      %add3A_87 = arith.addf %add3A_83, %get3A_86 : vector<16xf32>
      %get3A_88 = arith.constant 384 : index
      %get3A_89 = tpu.vector_load %arg8[%get3A_88] {strides = array<i32>} : memref<1024xf32, #tpu.memory_space<vmem>>, vector<16xf32>,
      %get3A_90 = vector.shape_cast %get3A_89 : vector<16xf32> to vector<16xf32>
      %add3A_91 = arith.addf %add3A_87, %get3A_90 : vector<16xf32>
      %get3A_92 = arith.constant 448 : index
      %get3A_93 = tpu.vector_load %arg8[%get3A_92] {strides = array<i32>} : memref<1024xf32, #tpu.memory_space<vmem>>, vector<16xf32>,
      %get3A_94 = vector.shape_cast %get3A_93 : vector<16xf32> to vector<16xf32>
      %add3A_95 = arith.addf %add3A_91, %get3A_94 : vector<16xf32>
      %get3A_96 = arith.constant 512 : index
      %get3A_97 = tpu.vector_load %arg8[%get3A_96] {strides = array<i32>} : memref<1024xf32, #tpu.memory_space<vmem>>, vector<16xf32>,
      %get3A_98 = vector.shape_cast %get3A_97 : vector<16xf32> to vector<16xf32>
      %add3A_99 = arith.addf %add3A_95, %get3A_98 : vector<16xf32>
      %get3A_100 = arith.constant 576 : index
      %get3A_101 = tpu.vector_load %arg8[%get3A_100] {strides = array<i32>} : memref<1024xf32, #tpu.memory_space<vmem>>, vector<16xf32>,
      %get3A_102 = vector.shape_cast %get3A_101 : vector<16xf32> to vector<16xf32>
      %add3A_103 = arith.addf %add3A_99, %get3A_102 : vector<16xf32>
      %get3A_104 = arith.constant 640 : index
      %get3A_105 = tpu.vector_load %arg8[%get3A_104] {strides = array<i32>} : memref<1024xf32, #tpu.memory_space<vmem>>, vector<16xf32>,
      %get3A_106 = vector.shape_cast %get3A_105 : vector<16xf32> to vector<16xf32>
      %add3A_107 = arith.addf %add3A_103, %get3A_106 : vector<16xf32>
      %get3A_108 = arith.constant 704 : index
      %get3A_109 = tpu.vector_load %arg8[%get3A_108] {strides = array<i32>} : memref<1024xf32, #tpu.memory_space<vmem>>, vector<16xf32>,
      %get3A_110 = vector.shape_cast %get3A_109 : vector<16xf32> to vector<16xf32>
      %add3A_111 = arith.addf %add3A_107, %get3A_110 : vector<16xf32>
      %get3A_112 = arith.constant 768 : index
      %get3A_113 = tpu.vector_load %arg8[%get3A_112] {strides = array<i32>} : memref<1024xf32, #tpu.memory_space<vmem>>, vector<16xf32>,
      %get3A_114 = vector.shape_cast %get3A_113 : vector<16xf32> to vector<16xf32>
      %add3A_115 = arith.addf %add3A_111, %get3A_114 : vector<16xf32>
      %get3A_116 = arith.constant 832 : index
      %get3A_117 = tpu.vector_load %arg8[%get3A_116] {strides = array<i32>} : memref<1024xf32, #tpu.memory_space<vmem>>, vector<16xf32>,
      %get3A_118 = vector.shape_cast %get3A_117 : vector<16xf32> to vector<16xf32>
      %add3A_119 = arith.addf %add3A_115, %get3A_118 : vector<16xf32>
      %get3A_120 = arith.constant 896 : index
      %get3A_121 = tpu.vector_load %arg8[%get3A_120] {strides = array<i32>} : memref<1024xf32, #tpu.memory_space<vmem>>, vector<16xf32>,
      %get3A_122 = vector.shape_cast %get3A_121 : vector<16xf32> to vector<16xf32>
      %add3A_123 = arith.addf %add3A_119, %get3A_122 : vector<16xf32>
      %get3A_124 = arith.constant 960 : index
      %get3A_125 = tpu.vector_load %arg8[%get3A_124] {strides = array<i32>} : memref<1024xf32, #tpu.memory_space<vmem>>, vector<16xf32>,
      %get3A_126 = vector.shape_cast %get3A_125 : vector<16xf32> to vector<16xf32>
      %add3A_127 = arith.addf %add3A_123, %get3A_126 : vector<16xf32>
      %get3A_128 = arith.constant 0 : index
      %get3A_129 = tpu.vector_load %arg7[%get3A_128] {strides = array<i32>} : memref<64xf32, #tpu.memory_space<vmem>>, vector<16xf32>,
      %get3A_130 = vector.shape_cast %get3A_129 : vector<16xf32> to vector<16xf32>
      %mul3A_131 = arith.constant 6.250000e-02 : f32
      %mul3A_132 = vector.broadcast %mul3A_131 : f32 to vector<16xf32>
      %mul3A_133 = arith.mulf %add3A_127, %mul3A_132 : vector<16xf32>
      %add3A_134 = arith.constant 1.000000e+00 : f32
      %add3A_135 = vector.broadcast %add3A_134 : f32 to vector<16xf32>
      %add3A_136 = arith.addf %add3A_135, %mul3A_133 : vector<16xf32>
      %sub3A = arith.subf %add3A_136, %get3A_130 : vector<16xf32>
      %max3A = arith.constant 0.000000e+00 : f32
      %max3A_137 = vector.broadcast %max3A : f32 to vector<16xf32>
      %max3A_138 = arith.maximumf %sub3A, %max3A_137 : vector<16xf32>
      %add3A_139 = arith.addf %broadcast_in_dim3A_61, %max3A_138 : vector<16xf32>
      %broadcast_in_dim3A_140 = arith.constant 0.000000e+00 : f32
      %broadcast_in_dim3A_141 = vector.broadcast %broadcast_in_dim3A_140 : f32 to vector<16xf32>
      %get3A_142 = arith.constant 16 : index
      %get3A_143 = tpu.vector_load %arg8[%get3A_142] {strides = array<i32>} : memref<1024xf32, #tpu.memory_space<vmem>>, vector<16xf32>,
      %get3A_144 = vector.shape_cast %get3A_143 : vector<16xf32> to vector<16xf32>
      %add3A_145 = arith.addf %broadcast_in_dim3A_141, %get3A_144 : vector<16xf32>
      %get3A_146 = arith.constant 80 : index
      %get3A_147 = tpu.vector_load %arg8[%get3A_146] {strides = array<i32>} : memref<1024xf32, #tpu.memory_space<vmem>>, vector<16xf32>,
      %get3A_148 = vector.shape_cast %get3A_147 : vector<16xf32> to vector<16xf32>
      %add3A_149 = arith.addf %add3A_145, %get3A_148 : vector<16xf32>
      %get3A_150 = arith.constant 144 : index
      %get3A_151 = tpu.vector_load %arg8[%get3A_150] {strides = array<i32>} : memref<1024xf32, #tpu.memory_space<vmem>>, vector<16xf32>,
      %get3A_152 = vector.shape_cast %get3A_151 : vector<16xf32> to vector<16xf32>
      %add3A_153 = arith.addf %add3A_149, %get3A_152 : vector<16xf32>
      %get3A_154 = arith.constant 208 : index
      %get3A_155 = tpu.vector_load %arg8[%get3A_154] {strides = array<i32>} : memref<1024xf32, #tpu.memory_space<vmem>>, vector<16xf32>,
      %get3A_156 = vector.shape_cast %get3A_155 : vector<16xf32> to vector<16xf32>
      %add3A_157 = arith.addf %add3A_153, %get3A_156 : vector<16xf32>
      %get3A_158 = arith.constant 272 : index
      %get3A_159 = tpu.vector_load %arg8[%get3A_158] {strides = array<i32>} : memref<1024xf32, #tpu.memory_space<vmem>>, vector<16xf32>,
      %get3A_160 = vector.shape_cast %get3A_159 : vector<16xf32> to vector<16xf32>
      %add3A_161 = arith.addf %add3A_157, %get3A_160 : vector<16xf32>
      %get3A_162 = arith.constant 336 : index
      %get3A_163 = tpu.vector_load %arg8[%get3A_162] {strides = array<i32>} : memref<1024xf32, #tpu.memory_space<vmem>>, vector<16xf32>,
      %get3A_164 = vector.shape_cast %get3A_163 : vector<16xf32> to vector<16xf32>
      %add3A_165 = arith.addf %add3A_161, %get3A_164 : vector<16xf32>
      %get3A_166 = arith.constant 400 : index
      %get3A_167 = tpu.vector_load %arg8[%get3A_166] {strides = array<i32>} : memref<1024xf32, #tpu.memory_space<vmem>>, vector<16xf32>,
      %get3A_168 = vector.shape_cast %get3A_167 : vector<16xf32> to vector<16xf32>
      %add3A_169 = arith.addf %add3A_165, %get3A_168 : vector<16xf32>
      %get3A_170 = arith.constant 464 : index
      %get3A_171 = tpu.vector_load %arg8[%get3A_170] {strides = array<i32>} : memref<1024xf32, #tpu.memory_space<vmem>>, vector<16xf32>,
      %get3A_172 = vector.shape_cast %get3A_171 : vector<16xf32> to vector<16xf32>
      %add3A_173 = arith.addf %add3A_169, %get3A_172 : vector<16xf32>
      %get3A_174 = arith.constant 528 : index
      %get3A_175 = tpu.vector_load %arg8[%get3A_174] {strides = array<i32>} : memref<1024xf32, #tpu.memory_space<vmem>>, vector<16xf32>,
      %get3A_176 = vector.shape_cast %get3A_175 : vector<16xf32> to vector<16xf32>
      %add3A_177 = arith.addf %add3A_173, %get3A_176 : vector<16xf32>
      %get3A_178 = arith.constant 592 : index
      %get3A_179 = tpu.vector_load %arg8[%get3A_178] {strides = array<i32>} : memref<1024xf32, #tpu.memory_space<vmem>>, vector<16xf32>,
      %get3A_180 = vector.shape_cast %get3A_179 : vector<16xf32> to vector<16xf32>
      %add3A_181 = arith.addf %add3A_177, %get3A_180 : vector<16xf32>
      %get3A_182 = arith.constant 656 : index
      %get3A_183 = tpu.vector_load %arg8[%get3A_182] {strides = array<i32>} : memref<1024xf32, #tpu.memory_space<vmem>>, vector<16xf32>,
      %get3A_184 = vector.shape_cast %get3A_183 : vector<16xf32> to vector<16xf32>
      %add3A_185 = arith.addf %add3A_181, %get3A_184 : vector<16xf32>
      %get3A_186 = arith.constant 720 : index
      %get3A_187 = tpu.vector_load %arg8[%get3A_186] {strides = array<i32>} : memref<1024xf32, #tpu.memory_space<vmem>>, vector<16xf32>,
      %get3A_188 = vector.shape_cast %get3A_187 : vector<16xf32> to vector<16xf32>
      %add3A_189 = arith.addf %add3A_185, %get3A_188 : vector<16xf32>
      %get3A_190 = arith.constant 784 : index
      %get3A_191 = tpu.vector_load %arg8[%get3A_190] {strides = array<i32>} : memref<1024xf32, #tpu.memory_space<vmem>>, vector<16xf32>,
      %get3A_192 = vector.shape_cast %get3A_191 : vector<16xf32> to vector<16xf32>
      %add3A_193 = arith.addf %add3A_189, %get3A_192 : vector<16xf32>
      %get3A_194 = arith.constant 848 : index
      %get3A_195 = tpu.vector_load %arg8[%get3A_194] {strides = array<i32>} : memref<1024xf32, #tpu.memory_space<vmem>>, vector<16xf32>,
      %get3A_196 = vector.shape_cast %get3A_195 : vector<16xf32> to vector<16xf32>
      %add3A_197 = arith.addf %add3A_193, %get3A_196 : vector<16xf32>
      %get3A_198 = arith.constant 912 : index
      %get3A_199 = tpu.vector_load %arg8[%get3A_198] {strides = array<i32>} : memref<1024xf32, #tpu.memory_space<vmem>>, vector<16xf32>,
      %get3A_200 = vector.shape_cast %get3A_199 : vector<16xf32> to vector<16xf32>
      %add3A_201 = arith.addf %add3A_197, %get3A_200 : vector<16xf32>
      %get3A_202 = arith.constant 976 : index
      %get3A_203 = tpu.vector_load %arg8[%get3A_202] {strides = array<i32>} : memref<1024xf32, #tpu.memory_space<vmem>>, vector<16xf32>,
      %get3A_204 = vector.shape_cast %get3A_203 : vector<16xf32> to vector<16xf32>
      %add3A_205 = arith.addf %add3A_201, %get3A_204 : vector<16xf32>
      %get3A_206 = arith.constant 16 : index
      %get3A_207 = tpu.vector_load %arg7[%get3A_206] {strides = array<i32>} : memref<64xf32, #tpu.memory_space<vmem>>, vector<16xf32>,
      %get3A_208 = vector.shape_cast %get3A_207 : vector<16xf32> to vector<16xf32>
      %mul3A_209 = arith.constant 6.250000e-02 : f32
      %mul3A_210 = vector.broadcast %mul3A_209 : f32 to vector<16xf32>
      %mul3A_211 = arith.mulf %add3A_205, %mul3A_210 : vector<16xf32>
      %add3A_212 = arith.constant 1.000000e+00 : f32
      %add3A_213 = vector.broadcast %add3A_212 : f32 to vector<16xf32>
      %add3A_214 = arith.addf %add3A_213, %mul3A_211 : vector<16xf32>
      %sub3A_215 = arith.subf %add3A_214, %get3A_208 : vector<16xf32>
      %max3A_216 = arith.constant 0.000000e+00 : f32
      %max3A_217 = vector.broadcast %max3A_216 : f32 to vector<16xf32>
      %max3A_218 = arith.maximumf %sub3A_215, %max3A_217 : vector<16xf32>
      %add3A_219 = arith.addf %add3A_139, %max3A_218 : vector<16xf32>
      %broadcast_in_dim3A_220 = arith.constant 0.000000e+00 : f32
      %broadcast_in_dim3A_221 = vector.broadcast %broadcast_in_dim3A_220 : f32 to vector<16xf32>
      %get3A_222 = arith.constant 32 : index
      %get3A_223 = tpu.vector_load %arg8[%get3A_222] {strides = array<i32>} : memref<1024xf32, #tpu.memory_space<vmem>>, vector<16xf32>,
      %get3A_224 = vector.shape_cast %get3A_223 : vector<16xf32> to vector<16xf32>
      %add3A_225 = arith.addf %broadcast_in_dim3A_221, %get3A_224 : vector<16xf32>
      %get3A_226 = arith.constant 96 : index
      %get3A_227 = tpu.vector_load %arg8[%get3A_226] {strides = array<i32>} : memref<1024xf32, #tpu.memory_space<vmem>>, vector<16xf32>,
      %get3A_228 = vector.shape_cast %get3A_227 : vector<16xf32> to vector<16xf32>
      %add3A_229 = arith.addf %add3A_225, %get3A_228 : vector<16xf32>
      %get3A_230 = arith.constant 160 : index
      %get3A_231 = tpu.vector_load %arg8[%get3A_230] {strides = array<i32>} : memref<1024xf32, #tpu.memory_space<vmem>>, vector<16xf32>,
      %get3A_232 = vector.shape_cast %get3A_231 : vector<16xf32> to vector<16xf32>
      %add3A_233 = arith.addf %add3A_229, %get3A_232 : vector<16xf32>
      %get3A_234 = arith.constant 224 : index
      %get3A_235 = tpu.vector_load %arg8[%get3A_234] {strides = array<i32>} : memref<1024xf32, #tpu.memory_space<vmem>>, vector<16xf32>,
      %get3A_236 = vector.shape_cast %get3A_235 : vector<16xf32> to vector<16xf32>
      %add3A_237 = arith.addf %add3A_233, %get3A_236 : vector<16xf32>
      %get3A_238 = arith.constant 288 : index
      %get3A_239 = tpu.vector_load %arg8[%get3A_238] {strides = array<i32>} : memref<1024xf32, #tpu.memory_space<vmem>>, vector<16xf32>,
      %get3A_240 = vector.shape_cast %get3A_239 : vector<16xf32> to vector<16xf32>
      %add3A_241 = arith.addf %add3A_237, %get3A_240 : vector<16xf32>
      %get3A_242 = arith.constant 352 : index
      %get3A_243 = tpu.vector_load %arg8[%get3A_242] {strides = array<i32>} : memref<1024xf32, #tpu.memory_space<vmem>>, vector<16xf32>,
      %get3A_244 = vector.shape_cast %get3A_243 : vector<16xf32> to vector<16xf32>
      %add3A_245 = arith.addf %add3A_241, %get3A_244 : vector<16xf32>
      %get3A_246 = arith.constant 416 : index
      %get3A_247 = tpu.vector_load %arg8[%get3A_246] {strides = array<i32>} : memref<1024xf32, #tpu.memory_space<vmem>>, vector<16xf32>,
      %get3A_248 = vector.shape_cast %get3A_247 : vector<16xf32> to vector<16xf32>
      %add3A_249 = arith.addf %add3A_245, %get3A_248 : vector<16xf32>
      %get3A_250 = arith.constant 480 : index
      %get3A_251 = tpu.vector_load %arg8[%get3A_250] {strides = array<i32>} : memref<1024xf32, #tpu.memory_space<vmem>>, vector<16xf32>,
      %get3A_252 = vector.shape_cast %get3A_251 : vector<16xf32> to vector<16xf32>
      %add3A_253 = arith.addf %add3A_249, %get3A_252 : vector<16xf32>
      %get3A_254 = arith.constant 544 : index
      %get3A_255 = tpu.vector_load %arg8[%get3A_254] {strides = array<i32>} : memref<1024xf32, #tpu.memory_space<vmem>>, vector<16xf32>,
      %get3A_256 = vector.shape_cast %get3A_255 : vector<16xf32> to vector<16xf32>
      %add3A_257 = arith.addf %add3A_253, %get3A_256 : vector<16xf32>
      %get3A_258 = arith.constant 608 : index
      %get3A_259 = tpu.vector_load %arg8[%get3A_258] {strides = array<i32>} : memref<1024xf32, #tpu.memory_space<vmem>>, vector<16xf32>,
      %get3A_260 = vector.shape_cast %get3A_259 : vector<16xf32> to vector<16xf32>
      %add3A_261 = arith.addf %add3A_257, %get3A_260 : vector<16xf32>
      %get3A_262 = arith.constant 672 : index
      %get3A_263 = tpu.vector_load %arg8[%get3A_262] {strides = array<i32>} : memref<1024xf32, #tpu.memory_space<vmem>>, vector<16xf32>,
      %get3A_264 = vector.shape_cast %get3A_263 : vector<16xf32> to vector<16xf32>
      %add3A_265 = arith.addf %add3A_261, %get3A_264 : vector<16xf32>
      %get3A_266 = arith.constant 736 : index
      %get3A_267 = tpu.vector_load %arg8[%get3A_266] {strides = array<i32>} : memref<1024xf32, #tpu.memory_space<vmem>>, vector<16xf32>,
      %get3A_268 = vector.shape_cast %get3A_267 : vector<16xf32> to vector<16xf32>
      %add3A_269 = arith.addf %add3A_265, %get3A_268 : vector<16xf32>
      %get3A_270 = arith.constant 800 : index
      %get3A_271 = tpu.vector_load %arg8[%get3A_270] {strides = array<i32>} : memref<1024xf32, #tpu.memory_space<vmem>>, vector<16xf32>,
      %get3A_272 = vector.shape_cast %get3A_271 : vector<16xf32> to vector<16xf32>
      %add3A_273 = arith.addf %add3A_269, %get3A_272 : vector<16xf32>
      %get3A_274 = arith.constant 864 : index
      %get3A_275 = tpu.vector_load %arg8[%get3A_274] {strides = array<i32>} : memref<1024xf32, #tpu.memory_space<vmem>>, vector<16xf32>,
      %get3A_276 = vector.shape_cast %get3A_275 : vector<16xf32> to vector<16xf32>
      %add3A_277 = arith.addf %add3A_273, %get3A_276 : vector<16xf32>
      %get3A_278 = arith.constant 928 : index
      %get3A_279 = tpu.vector_load %arg8[%get3A_278] {strides = array<i32>} : memref<1024xf32, #tpu.memory_space<vmem>>, vector<16xf32>,
      %get3A_280 = vector.shape_cast %get3A_279 : vector<16xf32> to vector<16xf32>
      %add3A_281 = arith.addf %add3A_277, %get3A_280 : vector<16xf32>
      %get3A_282 = arith.constant 992 : index
      %get3A_283 = tpu.vector_load %arg8[%get3A_282] {strides = array<i32>} : memref<1024xf32, #tpu.memory_space<vmem>>, vector<16xf32>,
      %get3A_284 = vector.shape_cast %get3A_283 : vector<16xf32> to vector<16xf32>
      %add3A_285 = arith.addf %add3A_281, %get3A_284 : vector<16xf32>
      %get3A_286 = arith.constant 32 : index
      %get3A_287 = tpu.vector_load %arg7[%get3A_286] {strides = array<i32>} : memref<64xf32, #tpu.memory_space<vmem>>, vector<16xf32>,
      %get3A_288 = vector.shape_cast %get3A_287 : vector<16xf32> to vector<16xf32>
      %mul3A_289 = arith.constant 6.250000e-02 : f32
      %mul3A_290 = vector.broadcast %mul3A_289 : f32 to vector<16xf32>
      %mul3A_291 = arith.mulf %add3A_285, %mul3A_290 : vector<16xf32>
      %add3A_292 = arith.constant 1.000000e+00 : f32
      %add3A_293 = vector.broadcast %add3A_292 : f32 to vector<16xf32>
      %add3A_294 = arith.addf %add3A_293, %mul3A_291 : vector<16xf32>
      %sub3A_295 = arith.subf %add3A_294, %get3A_288 : vector<16xf32>
      %max3A_296 = arith.constant 0.000000e+00 : f32
      %max3A_297 = vector.broadcast %max3A_296 : f32 to vector<16xf32>
      %max3A_298 = arith.maximumf %sub3A_295, %max3A_297 : vector<16xf32>
      %add3A_299 = arith.addf %add3A_219, %max3A_298 : vector<16xf32>
      %broadcast_in_dim3A_300 = arith.constant 0.000000e+00 : f32
      %broadcast_in_dim3A_301 = vector.broadcast %broadcast_in_dim3A_300 : f32 to vector<16xf32>
      %get3A_302 = arith.constant 48 : index
      %get3A_303 = tpu.vector_load %arg8[%get3A_302] {strides = array<i32>} : memref<1024xf32, #tpu.memory_space<vmem>>, vector<16xf32>,
      %get3A_304 = vector.shape_cast %get3A_303 : vector<16xf32> to vector<16xf32>
      %add3A_305 = arith.addf %broadcast_in_dim3A_301, %get3A_304 : vector<16xf32>
      %get3A_306 = arith.constant 112 : index
      %get3A_307 = tpu.vector_load %arg8[%get3A_306] {strides = array<i32>} : memref<1024xf32, #tpu.memory_space<vmem>>, vector<16xf32>,
      %get3A_308 = vector.shape_cast %get3A_307 : vector<16xf32> to vector<16xf32>
      %add3A_309 = arith.addf %add3A_305, %get3A_308 : vector<16xf32>
      %get3A_310 = arith.constant 176 : index
      %get3A_311 = tpu.vector_load %arg8[%get3A_310] {strides = array<i32>} : memref<1024xf32, #tpu.memory_space<vmem>>, vector<16xf32>,
      %get3A_312 = vector.shape_cast %get3A_311 : vector<16xf32> to vector<16xf32>
      %add3A_313 = arith.addf %add3A_309, %get3A_312 : vector<16xf32>
      %get3A_314 = arith.constant 240 : index
      %get3A_315 = tpu.vector_load %arg8[%get3A_314] {strides = array<i32>} : memref<1024xf32, #tpu.memory_space<vmem>>, vector<16xf32>,
      %get3A_316 = vector.shape_cast %get3A_315 : vector<16xf32> to vector<16xf32>
      %add3A_317 = arith.addf %add3A_313, %get3A_316 : vector<16xf32>
      %get3A_318 = arith.constant 304 : index
      %get3A_319 = tpu.vector_load %arg8[%get3A_318] {strides = array<i32>} : memref<1024xf32, #tpu.memory_space<vmem>>, vector<16xf32>,
      %get3A_320 = vector.shape_cast %get3A_319 : vector<16xf32> to vector<16xf32>
      %add3A_321 = arith.addf %add3A_317, %get3A_320 : vector<16xf32>
      %get3A_322 = arith.constant 368 : index
      %get3A_323 = tpu.vector_load %arg8[%get3A_322] {strides = array<i32>} : memref<1024xf32, #tpu.memory_space<vmem>>, vector<16xf32>,
      %get3A_324 = vector.shape_cast %get3A_323 : vector<16xf32> to vector<16xf32>
      %add3A_325 = arith.addf %add3A_321, %get3A_324 : vector<16xf32>
      %get3A_326 = arith.constant 432 : index
      %get3A_327 = tpu.vector_load %arg8[%get3A_326] {strides = array<i32>} : memref<1024xf32, #tpu.memory_space<vmem>>, vector<16xf32>,
      %get3A_328 = vector.shape_cast %get3A_327 : vector<16xf32> to vector<16xf32>
      %add3A_329 = arith.addf %add3A_325, %get3A_328 : vector<16xf32>
      %get3A_330 = arith.constant 496 : index
      %get3A_331 = tpu.vector_load %arg8[%get3A_330] {strides = array<i32>} : memref<1024xf32, #tpu.memory_space<vmem>>, vector<16xf32>,
      %get3A_332 = vector.shape_cast %get3A_331 : vector<16xf32> to vector<16xf32>
      %add3A_333 = arith.addf %add3A_329, %get3A_332 : vector<16xf32>
      %get3A_334 = arith.constant 560 : index
      %get3A_335 = tpu.vector_load %arg8[%get3A_334] {strides = array<i32>} : memref<1024xf32, #tpu.memory_space<vmem>>, vector<16xf32>,
      %get3A_336 = vector.shape_cast %get3A_335 : vector<16xf32> to vector<16xf32>
      %add3A_337 = arith.addf %add3A_333, %get3A_336 : vector<16xf32>
      %get3A_338 = arith.constant 624 : index
      %get3A_339 = tpu.vector_load %arg8[%get3A_338] {strides = array<i32>} : memref<1024xf32, #tpu.memory_space<vmem>>, vector<16xf32>,
      %get3A_340 = vector.shape_cast %get3A_339 : vector<16xf32> to vector<16xf32>
      %add3A_341 = arith.addf %add3A_337, %get3A_340 : vector<16xf32>
      %get3A_342 = arith.constant 688 : index
      %get3A_343 = tpu.vector_load %arg8[%get3A_342] {strides = array<i32>} : memref<1024xf32, #tpu.memory_space<vmem>>, vector<16xf32>,
      %get3A_344 = vector.shape_cast %get3A_343 : vector<16xf32> to vector<16xf32>
      %add3A_345 = arith.addf %add3A_341, %get3A_344 : vector<16xf32>
      %get3A_346 = arith.constant 752 : index
      %get3A_347 = tpu.vector_load %arg8[%get3A_346] {strides = array<i32>} : memref<1024xf32, #tpu.memory_space<vmem>>, vector<16xf32>,
      %get3A_348 = vector.shape_cast %get3A_347 : vector<16xf32> to vector<16xf32>
      %add3A_349 = arith.addf %add3A_345, %get3A_348 : vector<16xf32>
      %get3A_350 = arith.constant 816 : index
      %get3A_351 = tpu.vector_load %arg8[%get3A_350] {strides = array<i32>} : memref<1024xf32, #tpu.memory_space<vmem>>, vector<16xf32>,
      %get3A_352 = vector.shape_cast %get3A_351 : vector<16xf32> to vector<16xf32>
      %add3A_353 = arith.addf %add3A_349, %get3A_352 : vector<16xf32>
      %get3A_354 = arith.constant 880 : index
      %get3A_355 = tpu.vector_load %arg8[%get3A_354] {strides = array<i32>} : memref<1024xf32, #tpu.memory_space<vmem>>, vector<16xf32>,
      %get3A_356 = vector.shape_cast %get3A_355 : vector<16xf32> to vector<16xf32>
      %add3A_357 = arith.addf %add3A_353, %get3A_356 : vector<16xf32>
      %get3A_358 = arith.constant 944 : index
      %get3A_359 = tpu.vector_load %arg8[%get3A_358] {strides = array<i32>} : memref<1024xf32, #tpu.memory_space<vmem>>, vector<16xf32>,
      %get3A_360 = vector.shape_cast %get3A_359 : vector<16xf32> to vector<16xf32>
      %add3A_361 = arith.addf %add3A_357, %get3A_360 : vector<16xf32>
      %get3A_362 = arith.constant 1008 : index
      %get3A_363 = tpu.vector_load %arg8[%get3A_362] {strides = array<i32>} : memref<1024xf32, #tpu.memory_space<vmem>>, vector<16xf32>,
      %get3A_364 = vector.shape_cast %get3A_363 : vector<16xf32> to vector<16xf32>
      %add3A_365 = arith.addf %add3A_361, %get3A_364 : vector<16xf32>
      %get3A_366 = arith.constant 48 : index
      %get3A_367 = tpu.vector_load %arg7[%get3A_366] {strides = array<i32>} : memref<64xf32, #tpu.memory_space<vmem>>, vector<16xf32>,
      %get3A_368 = vector.shape_cast %get3A_367 : vector<16xf32> to vector<16xf32>
      %mul3A_369 = arith.constant 6.250000e-02 : f32
      %mul3A_370 = vector.broadcast %mul3A_369 : f32 to vector<16xf32>
      %mul3A_371 = arith.mulf %add3A_365, %mul3A_370 : vector<16xf32>
      %add3A_372 = arith.constant 1.000000e+00 : f32
      %add3A_373 = vector.broadcast %add3A_372 : f32 to vector<16xf32>
      %add3A_374 = arith.addf %add3A_373, %mul3A_371 : vector<16xf32>
      %sub3A_375 = arith.subf %add3A_374, %get3A_368 : vector<16xf32>
      %max3A_376 = arith.constant 0.000000e+00 : f32
      %max3A_377 = vector.broadcast %max3A_376 : f32 to vector<16xf32>
      %max3A_378 = arith.maximumf %sub3A_375, %max3A_377 : vector<16xf32>
      %add3A_379 = arith.addf %add3A_299, %max3A_378 : vector<16xf32>
      %mul3A_380 = arith.constant 1.562500e-02 : f32
      %mul3A_381 = vector.broadcast %mul3A_380 : f32 to vector<16xf32>
      %mul3A_382 = arith.mulf %add3A_379, %mul3A_381 : vector<16xf32>
      %swap3A_383 = arith.constant 0 : index
      %swap3A_384 = tpu.vector_load %arg9[%swap3A_383] {strides = array<i32>} : memref<16xf32, #tpu.memory_space<vmem>>, vector<16xf32>,
      %swap3A_385 = vector.shape_cast %swap3A_384 : vector<16xf32> to vector<16xf32>
      %swap3A_386 = vector.shape_cast %mul3A_382 : vector<16xf32> to vector<16xf32>
      tpu.vector_store %arg9[%swap3A_383], %swap3A_386 {strides = array<i32>} : memref<16xf32, #tpu.memory_space<vmem>>, vector<16xf32>,
      "tpu.region"() ({
        %run_scoped3A = tpu.sem_alloc : memref<!tpu.dma_semaphore, #tpu.memory_space<semaphore_mem>>
        tpu.enqueue_dma source(%arg9 : memref<16xf32, #tpu.memory_space<vmem>>) target(%arg5 : memref<16xf32, #tpu.memory_space<hbm>>) target_semaphore(%run_scoped3A : memref<!tpu.dma_semaphore, #tpu.memory_space<semaphore_mem>>)
        tpu.wait_dma2 semaphore(%run_scoped3A : memref<!tpu.dma_semaphore, #tpu.memory_space<semaphore_mem>>) src(%arg9 : memref<16xf32, #tpu.memory_space<vmem>>) dst(%arg5 : memref<16xf32, #tpu.memory_space<hbm>>)
        tpu.yield
      }) : () -> ()
    } else {
    }
    return
  }
}

module attributes {stable_mosaic.version = 14 : i64} {
  func.func @_kth_kernel(%arg0: i32, %arg1: memref<8192x128xf32, #tpu.memory_space<vmem>>, %arg2: memref<8192x128xf32, #tpu.memory_space<vmem>>, %arg3: memref<1x1x128xf32, #tpu.memory_space<vmem>>, %arg4: memref<8192x128xi16, #tpu.memory_space<vmem>>, %arg5: memref<8192x128xi16, #tpu.memory_space<vmem>>) attributes {dimension_semantics = [#tpu.dimension_semantics<arbitrary>], iteration_bounds = array<i64: 8>, scalar_prefetch = 0 : i64, scratch_operands = 2 : i64, tpu.core_type = #tpu.core_type<tc>, window_params = [{pipeline_mode = #tpu.pipeline_mode<synchronous>, transform_indices = @transform_0, window_bounds = array<i64: 8192, 128>}, {transform_indices = @transform_1, window_bounds = array<i64: 8192, 128>}, {transform_indices = @transform_2, window_bounds = array<i64: 1, 1, 128>}]} {
    %get3A = arith.constant 0 : index
    %get3A_0 = arith.constant 0 : index
    %get3A_1 = vector.load %arg1[%get3A, %get3A_0] : memref<8192x128xf32, #tpu.memory_space<vmem>>, vector<1024x128xf32>
    %get3A_2 = arith.constant 0 : index
    %get3A_3 = arith.constant 0 : index
    %get3A_4 = vector.load %arg2[%get3A_2, %get3A_3] : memref<8192x128xf32, #tpu.memory_space<vmem>>, vector<1024x128xf32>
    %mul3A = arith.constant 1.000000e-01 : f32
    %mul3A_5 = vector.broadcast %mul3A : f32 to vector<1024x128xf32>
    %mul3A_6 = arith.mulf %mul3A_5, %get3A_4 : vector<1024x128xf32>
    %add3A = arith.addf %get3A_1, %mul3A_6 : vector<1024x128xf32>
    %bitcast_convert_type3A = tpu.bitcast %add3A : vector<1024x128xf32> -> vector<1024x128xi32>
    %ge3A = arith.constant -2147483648 : i32
    %ge3A_7 = vector.broadcast %ge3A : i32 to vector<1024x128xi32>
    %ge3A_8 = arith.cmpi uge, %bitcast_convert_type3A, %ge3A_7 : vector<1024x128xi32>
    %jit3A = arith.constant -1 : i32
    %jit3A_9 = arith.constant -2147483648 : i32
    %broadcast_in_dim3A = vector.broadcast %jit3A : i32 to vector<1024x128xi32>
    %broadcast_in_dim3A_10 = vector.broadcast %jit3A_9 : i32 to vector<1024x128xi32>
    %select_n3A = arith.select %ge3A_8, %broadcast_in_dim3A, %broadcast_in_dim3A_10 : vector<1024x128xi1>, vector<1024x128xi32>
    %xor3A = arith.xori %bitcast_convert_type3A, %select_n3A : vector<1024x128xi32>
    %shift_right_logical3A = arith.constant 16 : i32
    %shift_right_logical3A_11 = vector.broadcast %shift_right_logical3A : i32 to vector<1024x128xi32>
    %shift_right_logical3A_12 = arith.shrui %xor3A, %shift_right_logical3A_11 : vector<1024x128xi32>
    %xor3A_13 = arith.constant 32768 : i32
    %xor3A_14 = vector.broadcast %xor3A_13 : i32 to vector<1024x128xi32>
    %xor3A_15 = arith.xori %shift_right_logical3A_12, %xor3A_14 : vector<1024x128xi32>
    %convert_element_type3A = arith.trunci %xor3A_15 : vector<1024x128xi32> to vector<1024x128xi16>
    %swap3A = arith.constant 0 : index
    %swap3A_16 = arith.constant 0 : index
    %swap3A_17 = vector.load %arg4[%swap3A, %swap3A_16] : memref<8192x128xi16, #tpu.memory_space<vmem>>, vector<1024x128xi16>
    tpu.vector_store %arg4[%swap3A, %swap3A_16], %convert_element_type3A {strides = array<i32>} : memref<8192x128xi16, #tpu.memory_space<vmem>>, vector<1024x128xi16>,
    %and3A = arith.constant 65535 : i32
    %and3A_18 = vector.broadcast %and3A : i32 to vector<1024x128xi32>
    %and3A_19 = arith.andi %xor3A, %and3A_18 : vector<1024x128xi32>
    %xor3A_20 = arith.constant 32768 : i32
    %xor3A_21 = vector.broadcast %xor3A_20 : i32 to vector<1024x128xi32>
    %xor3A_22 = arith.xori %and3A_19, %xor3A_21 : vector<1024x128xi32>
    %convert_element_type3A_23 = arith.trunci %xor3A_22 : vector<1024x128xi32> to vector<1024x128xi16>
    %swap3A_24 = arith.constant 0 : index
    %swap3A_25 = arith.constant 0 : index
    %swap3A_26 = vector.load %arg5[%swap3A_24, %swap3A_25] : memref<8192x128xi16, #tpu.memory_space<vmem>>, vector<1024x128xi16>
    tpu.vector_store %arg5[%swap3A_24, %swap3A_25], %convert_element_type3A_23 {strides = array<i32>} : memref<8192x128xi16, #tpu.memory_space<vmem>>, vector<1024x128xi16>,
    %get3A_27 = arith.constant 1024 : index
    %get3A_28 = arith.constant 0 : index
    %get3A_29 = vector.load %arg1[%get3A_27, %get3A_28] : memref<8192x128xf32, #tpu.memory_space<vmem>>, vector<1024x128xf32>
    %get3A_30 = arith.constant 1024 : index
    %get3A_31 = arith.constant 0 : index
    %get3A_32 = vector.load %arg2[%get3A_30, %get3A_31] : memref<8192x128xf32, #tpu.memory_space<vmem>>, vector<1024x128xf32>
    %mul3A_33 = arith.constant 1.000000e-01 : f32
    %mul3A_34 = vector.broadcast %mul3A_33 : f32 to vector<1024x128xf32>
    %mul3A_35 = arith.mulf %mul3A_34, %get3A_32 : vector<1024x128xf32>
    %add3A_36 = arith.addf %get3A_29, %mul3A_35 : vector<1024x128xf32>
    %bitcast_convert_type3A_37 = tpu.bitcast %add3A_36 : vector<1024x128xf32> -> vector<1024x128xi32>
    %ge3A_38 = arith.constant -2147483648 : i32
    %ge3A_39 = vector.broadcast %ge3A_38 : i32 to vector<1024x128xi32>
    %ge3A_40 = arith.cmpi uge, %bitcast_convert_type3A_37, %ge3A_39 : vector<1024x128xi32>
    %jit3A_41 = arith.constant -1 : i32
    %jit3A_42 = arith.constant -2147483648 : i32
    %broadcast_in_dim3A_43 = vector.broadcast %jit3A_41 : i32 to vector<1024x128xi32>
    %broadcast_in_dim3A_44 = vector.broadcast %jit3A_42 : i32 to vector<1024x128xi32>
    %select_n3A_45 = arith.select %ge3A_40, %broadcast_in_dim3A_43, %broadcast_in_dim3A_44 : vector<1024x128xi1>, vector<1024x128xi32>
    %xor3A_46 = arith.xori %bitcast_convert_type3A_37, %select_n3A_45 : vector<1024x128xi32>
    %shift_right_logical3A_47 = arith.constant 16 : i32
    %shift_right_logical3A_48 = vector.broadcast %shift_right_logical3A_47 : i32 to vector<1024x128xi32>
    %shift_right_logical3A_49 = arith.shrui %xor3A_46, %shift_right_logical3A_48 : vector<1024x128xi32>
    %xor3A_50 = arith.constant 32768 : i32
    %xor3A_51 = vector.broadcast %xor3A_50 : i32 to vector<1024x128xi32>
    %xor3A_52 = arith.xori %shift_right_logical3A_49, %xor3A_51 : vector<1024x128xi32>
    %convert_element_type3A_53 = arith.trunci %xor3A_52 : vector<1024x128xi32> to vector<1024x128xi16>
    %swap3A_54 = arith.constant 1024 : index
    %swap3A_55 = arith.constant 0 : index
    %swap3A_56 = vector.load %arg4[%swap3A_54, %swap3A_55] : memref<8192x128xi16, #tpu.memory_space<vmem>>, vector<1024x128xi16>
    tpu.vector_store %arg4[%swap3A_54, %swap3A_55], %convert_element_type3A_53 {strides = array<i32>} : memref<8192x128xi16, #tpu.memory_space<vmem>>, vector<1024x128xi16>,
    %and3A_57 = arith.constant 65535 : i32
    %and3A_58 = vector.broadcast %and3A_57 : i32 to vector<1024x128xi32>
    %and3A_59 = arith.andi %xor3A_46, %and3A_58 : vector<1024x128xi32>
    %xor3A_60 = arith.constant 32768 : i32
    %xor3A_61 = vector.broadcast %xor3A_60 : i32 to vector<1024x128xi32>
    %xor3A_62 = arith.xori %and3A_59, %xor3A_61 : vector<1024x128xi32>
    %convert_element_type3A_63 = arith.trunci %xor3A_62 : vector<1024x128xi32> to vector<1024x128xi16>
    %swap3A_64 = arith.constant 1024 : index
    %swap3A_65 = arith.constant 0 : index
    %swap3A_66 = vector.load %arg5[%swap3A_64, %swap3A_65] : memref<8192x128xi16, #tpu.memory_space<vmem>>, vector<1024x128xi16>
    tpu.vector_store %arg5[%swap3A_64, %swap3A_65], %convert_element_type3A_63 {strides = array<i32>} : memref<8192x128xi16, #tpu.memory_space<vmem>>, vector<1024x128xi16>,
    %get3A_67 = arith.constant 2048 : index
    %get3A_68 = arith.constant 0 : index
    %get3A_69 = vector.load %arg1[%get3A_67, %get3A_68] : memref<8192x128xf32, #tpu.memory_space<vmem>>, vector<1024x128xf32>
    %get3A_70 = arith.constant 2048 : index
    %get3A_71 = arith.constant 0 : index
    %get3A_72 = vector.load %arg2[%get3A_70, %get3A_71] : memref<8192x128xf32, #tpu.memory_space<vmem>>, vector<1024x128xf32>
    %mul3A_73 = arith.constant 1.000000e-01 : f32
    %mul3A_74 = vector.broadcast %mul3A_73 : f32 to vector<1024x128xf32>
    %mul3A_75 = arith.mulf %mul3A_74, %get3A_72 : vector<1024x128xf32>
    %add3A_76 = arith.addf %get3A_69, %mul3A_75 : vector<1024x128xf32>
    %bitcast_convert_type3A_77 = tpu.bitcast %add3A_76 : vector<1024x128xf32> -> vector<1024x128xi32>
    %ge3A_78 = arith.constant -2147483648 : i32
    %ge3A_79 = vector.broadcast %ge3A_78 : i32 to vector<1024x128xi32>
    %ge3A_80 = arith.cmpi uge, %bitcast_convert_type3A_77, %ge3A_79 : vector<1024x128xi32>
    %jit3A_81 = arith.constant -1 : i32
    %jit3A_82 = arith.constant -2147483648 : i32
    %broadcast_in_dim3A_83 = vector.broadcast %jit3A_81 : i32 to vector<1024x128xi32>
    %broadcast_in_dim3A_84 = vector.broadcast %jit3A_82 : i32 to vector<1024x128xi32>
    %select_n3A_85 = arith.select %ge3A_80, %broadcast_in_dim3A_83, %broadcast_in_dim3A_84 : vector<1024x128xi1>, vector<1024x128xi32>
    %xor3A_86 = arith.xori %bitcast_convert_type3A_77, %select_n3A_85 : vector<1024x128xi32>
    %shift_right_logical3A_87 = arith.constant 16 : i32
    %shift_right_logical3A_88 = vector.broadcast %shift_right_logical3A_87 : i32 to vector<1024x128xi32>
    %shift_right_logical3A_89 = arith.shrui %xor3A_86, %shift_right_logical3A_88 : vector<1024x128xi32>
    %xor3A_90 = arith.constant 32768 : i32
    %xor3A_91 = vector.broadcast %xor3A_90 : i32 to vector<1024x128xi32>
    %xor3A_92 = arith.xori %shift_right_logical3A_89, %xor3A_91 : vector<1024x128xi32>
    %convert_element_type3A_93 = arith.trunci %xor3A_92 : vector<1024x128xi32> to vector<1024x128xi16>
    %swap3A_94 = arith.constant 2048 : index
    %swap3A_95 = arith.constant 0 : index
    %swap3A_96 = vector.load %arg4[%swap3A_94, %swap3A_95] : memref<8192x128xi16, #tpu.memory_space<vmem>>, vector<1024x128xi16>
    tpu.vector_store %arg4[%swap3A_94, %swap3A_95], %convert_element_type3A_93 {strides = array<i32>} : memref<8192x128xi16, #tpu.memory_space<vmem>>, vector<1024x128xi16>,
    %and3A_97 = arith.constant 65535 : i32
    %and3A_98 = vector.broadcast %and3A_97 : i32 to vector<1024x128xi32>
    %and3A_99 = arith.andi %xor3A_86, %and3A_98 : vector<1024x128xi32>
    %xor3A_100 = arith.constant 32768 : i32
    %xor3A_101 = vector.broadcast %xor3A_100 : i32 to vector<1024x128xi32>
    %xor3A_102 = arith.xori %and3A_99, %xor3A_101 : vector<1024x128xi32>
    %convert_element_type3A_103 = arith.trunci %xor3A_102 : vector<1024x128xi32> to vector<1024x128xi16>
    %swap3A_104 = arith.constant 2048 : index
    %swap3A_105 = arith.constant 0 : index
    %swap3A_106 = vector.load %arg5[%swap3A_104, %swap3A_105] : memref<8192x128xi16, #tpu.memory_space<vmem>>, vector<1024x128xi16>
    tpu.vector_store %arg5[%swap3A_104, %swap3A_105], %convert_element_type3A_103 {strides = array<i32>} : memref<8192x128xi16, #tpu.memory_space<vmem>>, vector<1024x128xi16>,
    %get3A_107 = arith.constant 3072 : index
    %get3A_108 = arith.constant 0 : index
    %get3A_109 = vector.load %arg1[%get3A_107, %get3A_108] : memref<8192x128xf32, #tpu.memory_space<vmem>>, vector<1024x128xf32>
    %get3A_110 = arith.constant 3072 : index
    %get3A_111 = arith.constant 0 : index
    %get3A_112 = vector.load %arg2[%get3A_110, %get3A_111] : memref<8192x128xf32, #tpu.memory_space<vmem>>, vector<1024x128xf32>
    %mul3A_113 = arith.constant 1.000000e-01 : f32
    %mul3A_114 = vector.broadcast %mul3A_113 : f32 to vector<1024x128xf32>
    %mul3A_115 = arith.mulf %mul3A_114, %get3A_112 : vector<1024x128xf32>
    %add3A_116 = arith.addf %get3A_109, %mul3A_115 : vector<1024x128xf32>
    %bitcast_convert_type3A_117 = tpu.bitcast %add3A_116 : vector<1024x128xf32> -> vector<1024x128xi32>
    %ge3A_118 = arith.constant -2147483648 : i32
    %ge3A_119 = vector.broadcast %ge3A_118 : i32 to vector<1024x128xi32>
    %ge3A_120 = arith.cmpi uge, %bitcast_convert_type3A_117, %ge3A_119 : vector<1024x128xi32>
    %jit3A_121 = arith.constant -1 : i32
    %jit3A_122 = arith.constant -2147483648 : i32
    %broadcast_in_dim3A_123 = vector.broadcast %jit3A_121 : i32 to vector<1024x128xi32>
    %broadcast_in_dim3A_124 = vector.broadcast %jit3A_122 : i32 to vector<1024x128xi32>
    %select_n3A_125 = arith.select %ge3A_120, %broadcast_in_dim3A_123, %broadcast_in_dim3A_124 : vector<1024x128xi1>, vector<1024x128xi32>
    %xor3A_126 = arith.xori %bitcast_convert_type3A_117, %select_n3A_125 : vector<1024x128xi32>
    %shift_right_logical3A_127 = arith.constant 16 : i32
    %shift_right_logical3A_128 = vector.broadcast %shift_right_logical3A_127 : i32 to vector<1024x128xi32>
    %shift_right_logical3A_129 = arith.shrui %xor3A_126, %shift_right_logical3A_128 : vector<1024x128xi32>
    %xor3A_130 = arith.constant 32768 : i32
    %xor3A_131 = vector.broadcast %xor3A_130 : i32 to vector<1024x128xi32>
    %xor3A_132 = arith.xori %shift_right_logical3A_129, %xor3A_131 : vector<1024x128xi32>
    %convert_element_type3A_133 = arith.trunci %xor3A_132 : vector<1024x128xi32> to vector<1024x128xi16>
    %swap3A_134 = arith.constant 3072 : index
    %swap3A_135 = arith.constant 0 : index
    %swap3A_136 = vector.load %arg4[%swap3A_134, %swap3A_135] : memref<8192x128xi16, #tpu.memory_space<vmem>>, vector<1024x128xi16>
    tpu.vector_store %arg4[%swap3A_134, %swap3A_135], %convert_element_type3A_133 {strides = array<i32>} : memref<8192x128xi16, #tpu.memory_space<vmem>>, vector<1024x128xi16>,
    %and3A_137 = arith.constant 65535 : i32
    %and3A_138 = vector.broadcast %and3A_137 : i32 to vector<1024x128xi32>
    %and3A_139 = arith.andi %xor3A_126, %and3A_138 : vector<1024x128xi32>
    %xor3A_140 = arith.constant 32768 : i32
    %xor3A_141 = vector.broadcast %xor3A_140 : i32 to vector<1024x128xi32>
    %xor3A_142 = arith.xori %and3A_139, %xor3A_141 : vector<1024x128xi32>
    %convert_element_type3A_143 = arith.trunci %xor3A_142 : vector<1024x128xi32> to vector<1024x128xi16>
    %swap3A_144 = arith.constant 3072 : index
    %swap3A_145 = arith.constant 0 : index
    %swap3A_146 = vector.load %arg5[%swap3A_144, %swap3A_145] : memref<8192x128xi16, #tpu.memory_space<vmem>>, vector<1024x128xi16>
    tpu.vector_store %arg5[%swap3A_144, %swap3A_145], %convert_element_type3A_143 {strides = array<i32>} : memref<8192x128xi16, #tpu.memory_space<vmem>>, vector<1024x128xi16>,
    %get3A_147 = arith.constant 4096 : index
    %get3A_148 = arith.constant 0 : index
    %get3A_149 = vector.load %arg1[%get3A_147, %get3A_148] : memref<8192x128xf32, #tpu.memory_space<vmem>>, vector<1024x128xf32>
    %get3A_150 = arith.constant 4096 : index
    %get3A_151 = arith.constant 0 : index
    %get3A_152 = vector.load %arg2[%get3A_150, %get3A_151] : memref<8192x128xf32, #tpu.memory_space<vmem>>, vector<1024x128xf32>
    %mul3A_153 = arith.constant 1.000000e-01 : f32
    %mul3A_154 = vector.broadcast %mul3A_153 : f32 to vector<1024x128xf32>
    %mul3A_155 = arith.mulf %mul3A_154, %get3A_152 : vector<1024x128xf32>
    %add3A_156 = arith.addf %get3A_149, %mul3A_155 : vector<1024x128xf32>
    %bitcast_convert_type3A_157 = tpu.bitcast %add3A_156 : vector<1024x128xf32> -> vector<1024x128xi32>
    %ge3A_158 = arith.constant -2147483648 : i32
    %ge3A_159 = vector.broadcast %ge3A_158 : i32 to vector<1024x128xi32>
    %ge3A_160 = arith.cmpi uge, %bitcast_convert_type3A_157, %ge3A_159 : vector<1024x128xi32>
    %jit3A_161 = arith.constant -1 : i32
    %jit3A_162 = arith.constant -2147483648 : i32
    %broadcast_in_dim3A_163 = vector.broadcast %jit3A_161 : i32 to vector<1024x128xi32>
    %broadcast_in_dim3A_164 = vector.broadcast %jit3A_162 : i32 to vector<1024x128xi32>
    %select_n3A_165 = arith.select %ge3A_160, %broadcast_in_dim3A_163, %broadcast_in_dim3A_164 : vector<1024x128xi1>, vector<1024x128xi32>
    %xor3A_166 = arith.xori %bitcast_convert_type3A_157, %select_n3A_165 : vector<1024x128xi32>
    %shift_right_logical3A_167 = arith.constant 16 : i32
    %shift_right_logical3A_168 = vector.broadcast %shift_right_logical3A_167 : i32 to vector<1024x128xi32>
    %shift_right_logical3A_169 = arith.shrui %xor3A_166, %shift_right_logical3A_168 : vector<1024x128xi32>
    %xor3A_170 = arith.constant 32768 : i32
    %xor3A_171 = vector.broadcast %xor3A_170 : i32 to vector<1024x128xi32>
    %xor3A_172 = arith.xori %shift_right_logical3A_169, %xor3A_171 : vector<1024x128xi32>
    %convert_element_type3A_173 = arith.trunci %xor3A_172 : vector<1024x128xi32> to vector<1024x128xi16>
    %swap3A_174 = arith.constant 4096 : index
    %swap3A_175 = arith.constant 0 : index
    %swap3A_176 = vector.load %arg4[%swap3A_174, %swap3A_175] : memref<8192x128xi16, #tpu.memory_space<vmem>>, vector<1024x128xi16>
    tpu.vector_store %arg4[%swap3A_174, %swap3A_175], %convert_element_type3A_173 {strides = array<i32>} : memref<8192x128xi16, #tpu.memory_space<vmem>>, vector<1024x128xi16>,
    %and3A_177 = arith.constant 65535 : i32
    %and3A_178 = vector.broadcast %and3A_177 : i32 to vector<1024x128xi32>
    %and3A_179 = arith.andi %xor3A_166, %and3A_178 : vector<1024x128xi32>
    %xor3A_180 = arith.constant 32768 : i32
    %xor3A_181 = vector.broadcast %xor3A_180 : i32 to vector<1024x128xi32>
    %xor3A_182 = arith.xori %and3A_179, %xor3A_181 : vector<1024x128xi32>
    %convert_element_type3A_183 = arith.trunci %xor3A_182 : vector<1024x128xi32> to vector<1024x128xi16>
    %swap3A_184 = arith.constant 4096 : index
    %swap3A_185 = arith.constant 0 : index
    %swap3A_186 = vector.load %arg5[%swap3A_184, %swap3A_185] : memref<8192x128xi16, #tpu.memory_space<vmem>>, vector<1024x128xi16>
    tpu.vector_store %arg5[%swap3A_184, %swap3A_185], %convert_element_type3A_183 {strides = array<i32>} : memref<8192x128xi16, #tpu.memory_space<vmem>>, vector<1024x128xi16>,
    %get3A_187 = arith.constant 5120 : index
    %get3A_188 = arith.constant 0 : index
    %get3A_189 = vector.load %arg1[%get3A_187, %get3A_188] : memref<8192x128xf32, #tpu.memory_space<vmem>>, vector<1024x128xf32>
    %get3A_190 = arith.constant 5120 : index
    %get3A_191 = arith.constant 0 : index
    %get3A_192 = vector.load %arg2[%get3A_190, %get3A_191] : memref<8192x128xf32, #tpu.memory_space<vmem>>, vector<1024x128xf32>
    %mul3A_193 = arith.constant 1.000000e-01 : f32
    %mul3A_194 = vector.broadcast %mul3A_193 : f32 to vector<1024x128xf32>
    %mul3A_195 = arith.mulf %mul3A_194, %get3A_192 : vector<1024x128xf32>
    %add3A_196 = arith.addf %get3A_189, %mul3A_195 : vector<1024x128xf32>
    %bitcast_convert_type3A_197 = tpu.bitcast %add3A_196 : vector<1024x128xf32> -> vector<1024x128xi32>
    %ge3A_198 = arith.constant -2147483648 : i32
    %ge3A_199 = vector.broadcast %ge3A_198 : i32 to vector<1024x128xi32>
    %ge3A_200 = arith.cmpi uge, %bitcast_convert_type3A_197, %ge3A_199 : vector<1024x128xi32>
    %jit3A_201 = arith.constant -1 : i32
    %jit3A_202 = arith.constant -2147483648 : i32
    %broadcast_in_dim3A_203 = vector.broadcast %jit3A_201 : i32 to vector<1024x128xi32>
    %broadcast_in_dim3A_204 = vector.broadcast %jit3A_202 : i32 to vector<1024x128xi32>
    %select_n3A_205 = arith.select %ge3A_200, %broadcast_in_dim3A_203, %broadcast_in_dim3A_204 : vector<1024x128xi1>, vector<1024x128xi32>
    %xor3A_206 = arith.xori %bitcast_convert_type3A_197, %select_n3A_205 : vector<1024x128xi32>
    %shift_right_logical3A_207 = arith.constant 16 : i32
    %shift_right_logical3A_208 = vector.broadcast %shift_right_logical3A_207 : i32 to vector<1024x128xi32>
    %shift_right_logical3A_209 = arith.shrui %xor3A_206, %shift_right_logical3A_208 : vector<1024x128xi32>
    %xor3A_210 = arith.constant 32768 : i32
    %xor3A_211 = vector.broadcast %xor3A_210 : i32 to vector<1024x128xi32>
    %xor3A_212 = arith.xori %shift_right_logical3A_209, %xor3A_211 : vector<1024x128xi32>
    %convert_element_type3A_213 = arith.trunci %xor3A_212 : vector<1024x128xi32> to vector<1024x128xi16>
    %swap3A_214 = arith.constant 5120 : index
    %swap3A_215 = arith.constant 0 : index
    %swap3A_216 = vector.load %arg4[%swap3A_214, %swap3A_215] : memref<8192x128xi16, #tpu.memory_space<vmem>>, vector<1024x128xi16>
    tpu.vector_store %arg4[%swap3A_214, %swap3A_215], %convert_element_type3A_213 {strides = array<i32>} : memref<8192x128xi16, #tpu.memory_space<vmem>>, vector<1024x128xi16>,
    %and3A_217 = arith.constant 65535 : i32
    %and3A_218 = vector.broadcast %and3A_217 : i32 to vector<1024x128xi32>
    %and3A_219 = arith.andi %xor3A_206, %and3A_218 : vector<1024x128xi32>
    %xor3A_220 = arith.constant 32768 : i32
    %xor3A_221 = vector.broadcast %xor3A_220 : i32 to vector<1024x128xi32>
    %xor3A_222 = arith.xori %and3A_219, %xor3A_221 : vector<1024x128xi32>
    %convert_element_type3A_223 = arith.trunci %xor3A_222 : vector<1024x128xi32> to vector<1024x128xi16>
    %swap3A_224 = arith.constant 5120 : index
    %swap3A_225 = arith.constant 0 : index
    %swap3A_226 = vector.load %arg5[%swap3A_224, %swap3A_225] : memref<8192x128xi16, #tpu.memory_space<vmem>>, vector<1024x128xi16>
    tpu.vector_store %arg5[%swap3A_224, %swap3A_225], %convert_element_type3A_223 {strides = array<i32>} : memref<8192x128xi16, #tpu.memory_space<vmem>>, vector<1024x128xi16>,
    %get3A_227 = arith.constant 6144 : index
    %get3A_228 = arith.constant 0 : index
    %get3A_229 = vector.load %arg1[%get3A_227, %get3A_228] : memref<8192x128xf32, #tpu.memory_space<vmem>>, vector<1024x128xf32>
    %get3A_230 = arith.constant 6144 : index
    %get3A_231 = arith.constant 0 : index
    %get3A_232 = vector.load %arg2[%get3A_230, %get3A_231] : memref<8192x128xf32, #tpu.memory_space<vmem>>, vector<1024x128xf32>
    %mul3A_233 = arith.constant 1.000000e-01 : f32
    %mul3A_234 = vector.broadcast %mul3A_233 : f32 to vector<1024x128xf32>
    %mul3A_235 = arith.mulf %mul3A_234, %get3A_232 : vector<1024x128xf32>
    %add3A_236 = arith.addf %get3A_229, %mul3A_235 : vector<1024x128xf32>
    %bitcast_convert_type3A_237 = tpu.bitcast %add3A_236 : vector<1024x128xf32> -> vector<1024x128xi32>
    %ge3A_238 = arith.constant -2147483648 : i32
    %ge3A_239 = vector.broadcast %ge3A_238 : i32 to vector<1024x128xi32>
    %ge3A_240 = arith.cmpi uge, %bitcast_convert_type3A_237, %ge3A_239 : vector<1024x128xi32>
    %jit3A_241 = arith.constant -1 : i32
    %jit3A_242 = arith.constant -2147483648 : i32
    %broadcast_in_dim3A_243 = vector.broadcast %jit3A_241 : i32 to vector<1024x128xi32>
    %broadcast_in_dim3A_244 = vector.broadcast %jit3A_242 : i32 to vector<1024x128xi32>
    %select_n3A_245 = arith.select %ge3A_240, %broadcast_in_dim3A_243, %broadcast_in_dim3A_244 : vector<1024x128xi1>, vector<1024x128xi32>
    %xor3A_246 = arith.xori %bitcast_convert_type3A_237, %select_n3A_245 : vector<1024x128xi32>
    %shift_right_logical3A_247 = arith.constant 16 : i32
    %shift_right_logical3A_248 = vector.broadcast %shift_right_logical3A_247 : i32 to vector<1024x128xi32>
    %shift_right_logical3A_249 = arith.shrui %xor3A_246, %shift_right_logical3A_248 : vector<1024x128xi32>
    %xor3A_250 = arith.constant 32768 : i32
    %xor3A_251 = vector.broadcast %xor3A_250 : i32 to vector<1024x128xi32>
    %xor3A_252 = arith.xori %shift_right_logical3A_249, %xor3A_251 : vector<1024x128xi32>
    %convert_element_type3A_253 = arith.trunci %xor3A_252 : vector<1024x128xi32> to vector<1024x128xi16>
    %swap3A_254 = arith.constant 6144 : index
    %swap3A_255 = arith.constant 0 : index
    %swap3A_256 = vector.load %arg4[%swap3A_254, %swap3A_255] : memref<8192x128xi16, #tpu.memory_space<vmem>>, vector<1024x128xi16>
    tpu.vector_store %arg4[%swap3A_254, %swap3A_255], %convert_element_type3A_253 {strides = array<i32>} : memref<8192x128xi16, #tpu.memory_space<vmem>>, vector<1024x128xi16>,
    %and3A_257 = arith.constant 65535 : i32
    %and3A_258 = vector.broadcast %and3A_257 : i32 to vector<1024x128xi32>
    %and3A_259 = arith.andi %xor3A_246, %and3A_258 : vector<1024x128xi32>
    %xor3A_260 = arith.constant 32768 : i32
    %xor3A_261 = vector.broadcast %xor3A_260 : i32 to vector<1024x128xi32>
    %xor3A_262 = arith.xori %and3A_259, %xor3A_261 : vector<1024x128xi32>
    %convert_element_type3A_263 = arith.trunci %xor3A_262 : vector<1024x128xi32> to vector<1024x128xi16>
    %swap3A_264 = arith.constant 6144 : index
    %swap3A_265 = arith.constant 0 : index
    %swap3A_266 = vector.load %arg5[%swap3A_264, %swap3A_265] : memref<8192x128xi16, #tpu.memory_space<vmem>>, vector<1024x128xi16>
    tpu.vector_store %arg5[%swap3A_264, %swap3A_265], %convert_element_type3A_263 {strides = array<i32>} : memref<8192x128xi16, #tpu.memory_space<vmem>>, vector<1024x128xi16>,
    %get3A_267 = arith.constant 7168 : index
    %get3A_268 = arith.constant 0 : index
    %get3A_269 = vector.load %arg1[%get3A_267, %get3A_268] : memref<8192x128xf32, #tpu.memory_space<vmem>>, vector<1024x128xf32>
    %get3A_270 = arith.constant 7168 : index
    %get3A_271 = arith.constant 0 : index
    %get3A_272 = vector.load %arg2[%get3A_270, %get3A_271] : memref<8192x128xf32, #tpu.memory_space<vmem>>, vector<1024x128xf32>
    %mul3A_273 = arith.constant 1.000000e-01 : f32
    %mul3A_274 = vector.broadcast %mul3A_273 : f32 to vector<1024x128xf32>
    %mul3A_275 = arith.mulf %mul3A_274, %get3A_272 : vector<1024x128xf32>
    %add3A_276 = arith.addf %get3A_269, %mul3A_275 : vector<1024x128xf32>
    %bitcast_convert_type3A_277 = tpu.bitcast %add3A_276 : vector<1024x128xf32> -> vector<1024x128xi32>
    %ge3A_278 = arith.constant -2147483648 : i32
    %ge3A_279 = vector.broadcast %ge3A_278 : i32 to vector<1024x128xi32>
    %ge3A_280 = arith.cmpi uge, %bitcast_convert_type3A_277, %ge3A_279 : vector<1024x128xi32>
    %jit3A_281 = arith.constant -1 : i32
    %jit3A_282 = arith.constant -2147483648 : i32
    %broadcast_in_dim3A_283 = vector.broadcast %jit3A_281 : i32 to vector<1024x128xi32>
    %broadcast_in_dim3A_284 = vector.broadcast %jit3A_282 : i32 to vector<1024x128xi32>
    %select_n3A_285 = arith.select %ge3A_280, %broadcast_in_dim3A_283, %broadcast_in_dim3A_284 : vector<1024x128xi1>, vector<1024x128xi32>
    %xor3A_286 = arith.xori %bitcast_convert_type3A_277, %select_n3A_285 : vector<1024x128xi32>
    %shift_right_logical3A_287 = arith.constant 16 : i32
    %shift_right_logical3A_288 = vector.broadcast %shift_right_logical3A_287 : i32 to vector<1024x128xi32>
    %shift_right_logical3A_289 = arith.shrui %xor3A_286, %shift_right_logical3A_288 : vector<1024x128xi32>
    %xor3A_290 = arith.constant 32768 : i32
    %xor3A_291 = vector.broadcast %xor3A_290 : i32 to vector<1024x128xi32>
    %xor3A_292 = arith.xori %shift_right_logical3A_289, %xor3A_291 : vector<1024x128xi32>
    %convert_element_type3A_293 = arith.trunci %xor3A_292 : vector<1024x128xi32> to vector<1024x128xi16>
    %swap3A_294 = arith.constant 7168 : index
    %swap3A_295 = arith.constant 0 : index
    %swap3A_296 = vector.load %arg4[%swap3A_294, %swap3A_295] : memref<8192x128xi16, #tpu.memory_space<vmem>>, vector<1024x128xi16>
    tpu.vector_store %arg4[%swap3A_294, %swap3A_295], %convert_element_type3A_293 {strides = array<i32>} : memref<8192x128xi16, #tpu.memory_space<vmem>>, vector<1024x128xi16>,
    %and3A_297 = arith.constant 65535 : i32
    %and3A_298 = vector.broadcast %and3A_297 : i32 to vector<1024x128xi32>
    %and3A_299 = arith.andi %xor3A_286, %and3A_298 : vector<1024x128xi32>
    %xor3A_300 = arith.constant 32768 : i32
    %xor3A_301 = vector.broadcast %xor3A_300 : i32 to vector<1024x128xi32>
    %xor3A_302 = arith.xori %and3A_299, %xor3A_301 : vector<1024x128xi32>
    %convert_element_type3A_303 = arith.trunci %xor3A_302 : vector<1024x128xi32> to vector<1024x128xi16>
    %swap3A_304 = arith.constant 7168 : index
    %swap3A_305 = arith.constant 0 : index
    %swap3A_306 = vector.load %arg5[%swap3A_304, %swap3A_305] : memref<8192x128xi16, #tpu.memory_space<vmem>>, vector<1024x128xi16>
    tpu.vector_store %arg5[%swap3A_304, %swap3A_305], %convert_element_type3A_303 {strides = array<i32>} : memref<8192x128xi16, #tpu.memory_space<vmem>>, vector<1024x128xi16>,
    %broadcast_in_dim3A_307 = arith.constant 1.000000e+00 : bf16
    %broadcast_in_dim3A_308 = vector.broadcast %broadcast_in_dim3A_307 : bf16 to vector<1x8192xbf16>
    %broadcast_in_dim3A_309 = arith.constant 0 : i32
    %broadcast_in_dim3A_310 = vector.broadcast %broadcast_in_dim3A_309 : i32 to vector<1x128xi32>
    %shift_right_logical3A_311 = arith.constant 32768 : i32
    %shift_right_logical3A_312 = arith.constant 0 : i32
    %shift_right_logical3A_313 = arith.shrui %shift_right_logical3A_311, %shift_right_logical3A_312 : i32
    %or3A = vector.broadcast %shift_right_logical3A_313 : i32 to vector<1x128xi32>
    %or3A_314 = arith.ori %broadcast_in_dim3A_310, %or3A : vector<1x128xi32>
    %xor3A_315 = arith.constant 32768 : i32
    %xor3A_316 = vector.broadcast %xor3A_315 : i32 to vector<1x128xi32>
    %xor3A_317 = arith.xori %or3A_314, %xor3A_316 : vector<1x128xi32>
    %convert_element_type3A_318 = arith.trunci %xor3A_317 : vector<1x128xi32> to vector<1x128xi16>
    %get3A_319 = arith.constant 0 : index
    %get3A_320 = arith.constant 0 : index
    %get3A_321 = vector.load %arg4[%get3A_319, %get3A_320] : memref<8192x128xi16, #tpu.memory_space<vmem>>, vector<8192x128xi16>
    %ge3A_322 = vector.broadcast %convert_element_type3A_318 : vector<1x128xi16> to vector<8192x128xi16>
    %ge3A_323 = arith.cmpi sge, %get3A_321, %ge3A_322 : vector<8192x128xi16>
    %jit3A_324 = arith.constant 1.000000e+00 : bf16
    %jit3A_325 = arith.constant 0.000000e+00 : bf16
    %broadcast_in_dim3A_326 = vector.broadcast %jit3A_324 : bf16 to vector<8192x128xbf16>
    %broadcast_in_dim3A_327 = vector.broadcast %jit3A_325 : bf16 to vector<8192x128xbf16>
    %select_n3A_328 = arith.select %ge3A_323, %broadcast_in_dim3A_326, %broadcast_in_dim3A_327 : vector<8192x128xi1>, vector<8192x128xbf16>
    %dot_general3A = arith.constant dense<0.000000e+00> : vector<1x128xf32>
    %dot_general3A_329 = tpu.matmul %broadcast_in_dim3A_308, %select_n3A_328, %dot_general3A {dimension_numbers = #tpu.dot_dimension_numbers<[1], [0], [0], [1], [0, 0, 1, 1], [], []>, transpose_lhs_hint = false} : vector<1x8192xbf16>, vector<8192x128xbf16>, vector<1x128xf32> -> vector<1x128xf32>
    %ge3A_330 = arith.constant 3.400000e+01 : f32
    %ge3A_331 = vector.broadcast %ge3A_330 : f32 to vector<1x128xf32>
    %ge3A_332 = arith.cmpf oge, %dot_general3A_329, %ge3A_331 : vector<1x128xf32>
    %select_n3A_333 = arith.select %ge3A_332, %or3A_314, %broadcast_in_dim3A_310 : vector<1x128xi1>, vector<1x128xi32>
    %shift_right_logical3A_334 = arith.constant 32768 : i32
    %shift_right_logical3A_335 = arith.constant 1 : i32
    %shift_right_logical3A_336 = arith.shrui %shift_right_logical3A_334, %shift_right_logical3A_335 : i32
    %or3A_337 = vector.broadcast %shift_right_logical3A_336 : i32 to vector<1x128xi32>
    %or3A_338 = arith.ori %select_n3A_333, %or3A_337 : vector<1x128xi32>
    %xor3A_339 = arith.constant 32768 : i32
    %xor3A_340 = vector.broadcast %xor3A_339 : i32 to vector<1x128xi32>
    %xor3A_341 = arith.xori %or3A_338, %xor3A_340 : vector<1x128xi32>
    %convert_element_type3A_342 = arith.trunci %xor3A_341 : vector<1x128xi32> to vector<1x128xi16>
    %get3A_343 = arith.constant 0 : index
    %get3A_344 = arith.constant 0 : index
    %get3A_345 = vector.load %arg4[%get3A_343, %get3A_344] : memref<8192x128xi16, #tpu.memory_space<vmem>>, vector<8192x128xi16>
    %ge3A_346 = vector.broadcast %convert_element_type3A_342 : vector<1x128xi16> to vector<8192x128xi16>
    %ge3A_347 = arith.cmpi sge, %get3A_345, %ge3A_346 : vector<8192x128xi16>
    %jit3A_348 = arith.constant 1.000000e+00 : bf16
    %jit3A_349 = arith.constant 0.000000e+00 : bf16
    %broadcast_in_dim3A_350 = vector.broadcast %jit3A_348 : bf16 to vector<8192x128xbf16>
    %broadcast_in_dim3A_351 = vector.broadcast %jit3A_349 : bf16 to vector<8192x128xbf16>
    %select_n3A_352 = arith.select %ge3A_347, %broadcast_in_dim3A_350, %broadcast_in_dim3A_351 : vector<8192x128xi1>, vector<8192x128xbf16>
    %dot_general3A_353 = arith.constant dense<0.000000e+00> : vector<1x128xf32>
    %dot_general3A_354 = tpu.matmul %broadcast_in_dim3A_308, %select_n3A_352, %dot_general3A_353 {dimension_numbers = #tpu.dot_dimension_numbers<[1], [0], [0], [1], [0, 0, 1, 1], [], []>, transpose_lhs_hint = false} : vector<1x8192xbf16>, vector<8192x128xbf16>, vector<1x128xf32> -> vector<1x128xf32>
    %ge3A_355 = arith.constant 3.400000e+01 : f32
    %ge3A_356 = vector.broadcast %ge3A_355 : f32 to vector<1x128xf32>
    %ge3A_357 = arith.cmpf oge, %dot_general3A_354, %ge3A_356 : vector<1x128xf32>
    %select_n3A_358 = arith.select %ge3A_357, %or3A_338, %select_n3A_333 : vector<1x128xi1>, vector<1x128xi32>
    %shift_right_logical3A_359 = arith.constant 32768 : i32
    %shift_right_logical3A_360 = arith.constant 2 : i32
    %shift_right_logical3A_361 = arith.shrui %shift_right_logical3A_359, %shift_right_logical3A_360 : i32
    %or3A_362 = vector.broadcast %shift_right_logical3A_361 : i32 to vector<1x128xi32>
    %or3A_363 = arith.ori %select_n3A_358, %or3A_362 : vector<1x128xi32>
    %xor3A_364 = arith.constant 32768 : i32
    %xor3A_365 = vector.broadcast %xor3A_364 : i32 to vector<1x128xi32>
    %xor3A_366 = arith.xori %or3A_363, %xor3A_365 : vector<1x128xi32>
    %convert_element_type3A_367 = arith.trunci %xor3A_366 : vector<1x128xi32> to vector<1x128xi16>
    %get3A_368 = arith.constant 0 : index
    %get3A_369 = arith.constant 0 : index
    %get3A_370 = vector.load %arg4[%get3A_368, %get3A_369] : memref<8192x128xi16, #tpu.memory_space<vmem>>, vector<8192x128xi16>
    %ge3A_371 = vector.broadcast %convert_element_type3A_367 : vector<1x128xi16> to vector<8192x128xi16>
    %ge3A_372 = arith.cmpi sge, %get3A_370, %ge3A_371 : vector<8192x128xi16>
    %jit3A_373 = arith.constant 1.000000e+00 : bf16
    %jit3A_374 = arith.constant 0.000000e+00 : bf16
    %broadcast_in_dim3A_375 = vector.broadcast %jit3A_373 : bf16 to vector<8192x128xbf16>
    %broadcast_in_dim3A_376 = vector.broadcast %jit3A_374 : bf16 to vector<8192x128xbf16>
    %select_n3A_377 = arith.select %ge3A_372, %broadcast_in_dim3A_375, %broadcast_in_dim3A_376 : vector<8192x128xi1>, vector<8192x128xbf16>
    %dot_general3A_378 = arith.constant dense<0.000000e+00> : vector<1x128xf32>
    %dot_general3A_379 = tpu.matmul %broadcast_in_dim3A_308, %select_n3A_377, %dot_general3A_378 {dimension_numbers = #tpu.dot_dimension_numbers<[1], [0], [0], [1], [0, 0, 1, 1], [], []>, transpose_lhs_hint = false} : vector<1x8192xbf16>, vector<8192x128xbf16>, vector<1x128xf32> -> vector<1x128xf32>
    %ge3A_380 = arith.constant 3.400000e+01 : f32
    %ge3A_381 = vector.broadcast %ge3A_380 : f32 to vector<1x128xf32>
    %ge3A_382 = arith.cmpf oge, %dot_general3A_379, %ge3A_381 : vector<1x128xf32>
    %select_n3A_383 = arith.select %ge3A_382, %or3A_363, %select_n3A_358 : vector<1x128xi1>, vector<1x128xi32>
    %shift_right_logical3A_384 = arith.constant 32768 : i32
    %shift_right_logical3A_385 = arith.constant 3 : i32
    %shift_right_logical3A_386 = arith.shrui %shift_right_logical3A_384, %shift_right_logical3A_385 : i32
    %or3A_387 = vector.broadcast %shift_right_logical3A_386 : i32 to vector<1x128xi32>
    %or3A_388 = arith.ori %select_n3A_383, %or3A_387 : vector<1x128xi32>
    %xor3A_389 = arith.constant 32768 : i32
    %xor3A_390 = vector.broadcast %xor3A_389 : i32 to vector<1x128xi32>
    %xor3A_391 = arith.xori %or3A_388, %xor3A_390 : vector<1x128xi32>
    %convert_element_type3A_392 = arith.trunci %xor3A_391 : vector<1x128xi32> to vector<1x128xi16>
    %get3A_393 = arith.constant 0 : index
    %get3A_394 = arith.constant 0 : index
    %get3A_395 = vector.load %arg4[%get3A_393, %get3A_394] : memref<8192x128xi16, #tpu.memory_space<vmem>>, vector<8192x128xi16>
    %ge3A_396 = vector.broadcast %convert_element_type3A_392 : vector<1x128xi16> to vector<8192x128xi16>
    %ge3A_397 = arith.cmpi sge, %get3A_395, %ge3A_396 : vector<8192x128xi16>
    %jit3A_398 = arith.constant 1.000000e+00 : bf16
    %jit3A_399 = arith.constant 0.000000e+00 : bf16
    %broadcast_in_dim3A_400 = vector.broadcast %jit3A_398 : bf16 to vector<8192x128xbf16>
    %broadcast_in_dim3A_401 = vector.broadcast %jit3A_399 : bf16 to vector<8192x128xbf16>
    %select_n3A_402 = arith.select %ge3A_397, %broadcast_in_dim3A_400, %broadcast_in_dim3A_401 : vector<8192x128xi1>, vector<8192x128xbf16>
    %dot_general3A_403 = arith.constant dense<0.000000e+00> : vector<1x128xf32>
    %dot_general3A_404 = tpu.matmul %broadcast_in_dim3A_308, %select_n3A_402, %dot_general3A_403 {dimension_numbers = #tpu.dot_dimension_numbers<[1], [0], [0], [1], [0, 0, 1, 1], [], []>, transpose_lhs_hint = false} : vector<1x8192xbf16>, vector<8192x128xbf16>, vector<1x128xf32> -> vector<1x128xf32>
    %ge3A_405 = arith.constant 3.400000e+01 : f32
    %ge3A_406 = vector.broadcast %ge3A_405 : f32 to vector<1x128xf32>
    %ge3A_407 = arith.cmpf oge, %dot_general3A_404, %ge3A_406 : vector<1x128xf32>
    %select_n3A_408 = arith.select %ge3A_407, %or3A_388, %select_n3A_383 : vector<1x128xi1>, vector<1x128xi32>
    %shift_right_logical3A_409 = arith.constant 32768 : i32
    %shift_right_logical3A_410 = arith.constant 4 : i32
    %shift_right_logical3A_411 = arith.shrui %shift_right_logical3A_409, %shift_right_logical3A_410 : i32
    %or3A_412 = vector.broadcast %shift_right_logical3A_411 : i32 to vector<1x128xi32>
    %or3A_413 = arith.ori %select_n3A_408, %or3A_412 : vector<1x128xi32>
    %xor3A_414 = arith.constant 32768 : i32
    %xor3A_415 = vector.broadcast %xor3A_414 : i32 to vector<1x128xi32>
    %xor3A_416 = arith.xori %or3A_413, %xor3A_415 : vector<1x128xi32>
    %convert_element_type3A_417 = arith.trunci %xor3A_416 : vector<1x128xi32> to vector<1x128xi16>
    %get3A_418 = arith.constant 0 : index
    %get3A_419 = arith.constant 0 : index
    %get3A_420 = vector.load %arg4[%get3A_418, %get3A_419] : memref<8192x128xi16, #tpu.memory_space<vmem>>, vector<8192x128xi16>
    %ge3A_421 = vector.broadcast %convert_element_type3A_417 : vector<1x128xi16> to vector<8192x128xi16>
    %ge3A_422 = arith.cmpi sge, %get3A_420, %ge3A_421 : vector<8192x128xi16>
    %jit3A_423 = arith.constant 1.000000e+00 : bf16
    %jit3A_424 = arith.constant 0.000000e+00 : bf16
    %broadcast_in_dim3A_425 = vector.broadcast %jit3A_423 : bf16 to vector<8192x128xbf16>
    %broadcast_in_dim3A_426 = vector.broadcast %jit3A_424 : bf16 to vector<8192x128xbf16>
    %select_n3A_427 = arith.select %ge3A_422, %broadcast_in_dim3A_425, %broadcast_in_dim3A_426 : vector<8192x128xi1>, vector<8192x128xbf16>
    %dot_general3A_428 = arith.constant dense<0.000000e+00> : vector<1x128xf32>
    %dot_general3A_429 = tpu.matmul %broadcast_in_dim3A_308, %select_n3A_427, %dot_general3A_428 {dimension_numbers = #tpu.dot_dimension_numbers<[1], [0], [0], [1], [0, 0, 1, 1], [], []>, transpose_lhs_hint = false} : vector<1x8192xbf16>, vector<8192x128xbf16>, vector<1x128xf32> -> vector<1x128xf32>
    %ge3A_430 = arith.constant 3.400000e+01 : f32
    %ge3A_431 = vector.broadcast %ge3A_430 : f32 to vector<1x128xf32>
    %ge3A_432 = arith.cmpf oge, %dot_general3A_429, %ge3A_431 : vector<1x128xf32>
    %select_n3A_433 = arith.select %ge3A_432, %or3A_413, %select_n3A_408 : vector<1x128xi1>, vector<1x128xi32>
    %shift_right_logical3A_434 = arith.constant 32768 : i32
    %shift_right_logical3A_435 = arith.constant 5 : i32
    %shift_right_logical3A_436 = arith.shrui %shift_right_logical3A_434, %shift_right_logical3A_435 : i32
    %or3A_437 = vector.broadcast %shift_right_logical3A_436 : i32 to vector<1x128xi32>
    %or3A_438 = arith.ori %select_n3A_433, %or3A_437 : vector<1x128xi32>
    %xor3A_439 = arith.constant 32768 : i32
    %xor3A_440 = vector.broadcast %xor3A_439 : i32 to vector<1x128xi32>
    %xor3A_441 = arith.xori %or3A_438, %xor3A_440 : vector<1x128xi32>
    %convert_element_type3A_442 = arith.trunci %xor3A_441 : vector<1x128xi32> to vector<1x128xi16>
    %get3A_443 = arith.constant 0 : index
    %get3A_444 = arith.constant 0 : index
    %get3A_445 = vector.load %arg4[%get3A_443, %get3A_444] : memref<8192x128xi16, #tpu.memory_space<vmem>>, vector<8192x128xi16>
    %ge3A_446 = vector.broadcast %convert_element_type3A_442 : vector<1x128xi16> to vector<8192x128xi16>
    %ge3A_447 = arith.cmpi sge, %get3A_445, %ge3A_446 : vector<8192x128xi16>
    %jit3A_448 = arith.constant 1.000000e+00 : bf16
    %jit3A_449 = arith.constant 0.000000e+00 : bf16
    %broadcast_in_dim3A_450 = vector.broadcast %jit3A_448 : bf16 to vector<8192x128xbf16>
    %broadcast_in_dim3A_451 = vector.broadcast %jit3A_449 : bf16 to vector<8192x128xbf16>
    %select_n3A_452 = arith.select %ge3A_447, %broadcast_in_dim3A_450, %broadcast_in_dim3A_451 : vector<8192x128xi1>, vector<8192x128xbf16>
    %dot_general3A_453 = arith.constant dense<0.000000e+00> : vector<1x128xf32>
    %dot_general3A_454 = tpu.matmul %broadcast_in_dim3A_308, %select_n3A_452, %dot_general3A_453 {dimension_numbers = #tpu.dot_dimension_numbers<[1], [0], [0], [1], [0, 0, 1, 1], [], []>, transpose_lhs_hint = false} : vector<1x8192xbf16>, vector<8192x128xbf16>, vector<1x128xf32> -> vector<1x128xf32>
    %ge3A_455 = arith.constant 3.400000e+01 : f32
    %ge3A_456 = vector.broadcast %ge3A_455 : f32 to vector<1x128xf32>
    %ge3A_457 = arith.cmpf oge, %dot_general3A_454, %ge3A_456 : vector<1x128xf32>
    %select_n3A_458 = arith.select %ge3A_457, %or3A_438, %select_n3A_433 : vector<1x128xi1>, vector<1x128xi32>
    %shift_right_logical3A_459 = arith.constant 32768 : i32
    %shift_right_logical3A_460 = arith.constant 6 : i32
    %shift_right_logical3A_461 = arith.shrui %shift_right_logical3A_459, %shift_right_logical3A_460 : i32
    %or3A_462 = vector.broadcast %shift_right_logical3A_461 : i32 to vector<1x128xi32>
    %or3A_463 = arith.ori %select_n3A_458, %or3A_462 : vector<1x128xi32>
    %xor3A_464 = arith.constant 32768 : i32
    %xor3A_465 = vector.broadcast %xor3A_464 : i32 to vector<1x128xi32>
    %xor3A_466 = arith.xori %or3A_463, %xor3A_465 : vector<1x128xi32>
    %convert_element_type3A_467 = arith.trunci %xor3A_466 : vector<1x128xi32> to vector<1x128xi16>
    %get3A_468 = arith.constant 0 : index
    %get3A_469 = arith.constant 0 : index
    %get3A_470 = vector.load %arg4[%get3A_468, %get3A_469] : memref<8192x128xi16, #tpu.memory_space<vmem>>, vector<8192x128xi16>
    %ge3A_471 = vector.broadcast %convert_element_type3A_467 : vector<1x128xi16> to vector<8192x128xi16>
    %ge3A_472 = arith.cmpi sge, %get3A_470, %ge3A_471 : vector<8192x128xi16>
    %jit3A_473 = arith.constant 1.000000e+00 : bf16
    %jit3A_474 = arith.constant 0.000000e+00 : bf16
    %broadcast_in_dim3A_475 = vector.broadcast %jit3A_473 : bf16 to vector<8192x128xbf16>
    %broadcast_in_dim3A_476 = vector.broadcast %jit3A_474 : bf16 to vector<8192x128xbf16>
    %select_n3A_477 = arith.select %ge3A_472, %broadcast_in_dim3A_475, %broadcast_in_dim3A_476 : vector<8192x128xi1>, vector<8192x128xbf16>
    %dot_general3A_478 = arith.constant dense<0.000000e+00> : vector<1x128xf32>
    %dot_general3A_479 = tpu.matmul %broadcast_in_dim3A_308, %select_n3A_477, %dot_general3A_478 {dimension_numbers = #tpu.dot_dimension_numbers<[1], [0], [0], [1], [0, 0, 1, 1], [], []>, transpose_lhs_hint = false} : vector<1x8192xbf16>, vector<8192x128xbf16>, vector<1x128xf32> -> vector<1x128xf32>
    %ge3A_480 = arith.constant 3.400000e+01 : f32
    %ge3A_481 = vector.broadcast %ge3A_480 : f32 to vector<1x128xf32>
    %ge3A_482 = arith.cmpf oge, %dot_general3A_479, %ge3A_481 : vector<1x128xf32>
    %select_n3A_483 = arith.select %ge3A_482, %or3A_463, %select_n3A_458 : vector<1x128xi1>, vector<1x128xi32>
    %shift_right_logical3A_484 = arith.constant 32768 : i32
    %shift_right_logical3A_485 = arith.constant 7 : i32
    %shift_right_logical3A_486 = arith.shrui %shift_right_logical3A_484, %shift_right_logical3A_485 : i32
    %or3A_487 = vector.broadcast %shift_right_logical3A_486 : i32 to vector<1x128xi32>
    %or3A_488 = arith.ori %select_n3A_483, %or3A_487 : vector<1x128xi32>
    %xor3A_489 = arith.constant 32768 : i32
    %xor3A_490 = vector.broadcast %xor3A_489 : i32 to vector<1x128xi32>
    %xor3A_491 = arith.xori %or3A_488, %xor3A_490 : vector<1x128xi32>
    %convert_element_type3A_492 = arith.trunci %xor3A_491 : vector<1x128xi32> to vector<1x128xi16>
    %get3A_493 = arith.constant 0 : index
    %get3A_494 = arith.constant 0 : index
    %get3A_495 = vector.load %arg4[%get3A_493, %get3A_494] : memref<8192x128xi16, #tpu.memory_space<vmem>>, vector<8192x128xi16>
    %ge3A_496 = vector.broadcast %convert_element_type3A_492 : vector<1x128xi16> to vector<8192x128xi16>
    %ge3A_497 = arith.cmpi sge, %get3A_495, %ge3A_496 : vector<8192x128xi16>
    %jit3A_498 = arith.constant 1.000000e+00 : bf16
    %jit3A_499 = arith.constant 0.000000e+00 : bf16
    %broadcast_in_dim3A_500 = vector.broadcast %jit3A_498 : bf16 to vector<8192x128xbf16>
    %broadcast_in_dim3A_501 = vector.broadcast %jit3A_499 : bf16 to vector<8192x128xbf16>
    %select_n3A_502 = arith.select %ge3A_497, %broadcast_in_dim3A_500, %broadcast_in_dim3A_501 : vector<8192x128xi1>, vector<8192x128xbf16>
    %dot_general3A_503 = arith.constant dense<0.000000e+00> : vector<1x128xf32>
    %dot_general3A_504 = tpu.matmul %broadcast_in_dim3A_308, %select_n3A_502, %dot_general3A_503 {dimension_numbers = #tpu.dot_dimension_numbers<[1], [0], [0], [1], [0, 0, 1, 1], [], []>, transpose_lhs_hint = false} : vector<1x8192xbf16>, vector<8192x128xbf16>, vector<1x128xf32> -> vector<1x128xf32>
    %ge3A_505 = arith.constant 3.400000e+01 : f32
    %ge3A_506 = vector.broadcast %ge3A_505 : f32 to vector<1x128xf32>
    %ge3A_507 = arith.cmpf oge, %dot_general3A_504, %ge3A_506 : vector<1x128xf32>
    %select_n3A_508 = arith.select %ge3A_507, %or3A_488, %select_n3A_483 : vector<1x128xi1>, vector<1x128xi32>
    %shift_right_logical3A_509 = arith.constant 32768 : i32
    %shift_right_logical3A_510 = arith.constant 8 : i32
    %shift_right_logical3A_511 = arith.shrui %shift_right_logical3A_509, %shift_right_logical3A_510 : i32
    %or3A_512 = vector.broadcast %shift_right_logical3A_511 : i32 to vector<1x128xi32>
    %or3A_513 = arith.ori %select_n3A_508, %or3A_512 : vector<1x128xi32>
    %xor3A_514 = arith.constant 32768 : i32
    %xor3A_515 = vector.broadcast %xor3A_514 : i32 to vector<1x128xi32>
    %xor3A_516 = arith.xori %or3A_513, %xor3A_515 : vector<1x128xi32>
    %convert_element_type3A_517 = arith.trunci %xor3A_516 : vector<1x128xi32> to vector<1x128xi16>
    %get3A_518 = arith.constant 0 : index
    %get3A_519 = arith.constant 0 : index
    %get3A_520 = vector.load %arg4[%get3A_518, %get3A_519] : memref<8192x128xi16, #tpu.memory_space<vmem>>, vector<8192x128xi16>
    %ge3A_521 = vector.broadcast %convert_element_type3A_517 : vector<1x128xi16> to vector<8192x128xi16>
    %ge3A_522 = arith.cmpi sge, %get3A_520, %ge3A_521 : vector<8192x128xi16>
    %jit3A_523 = arith.constant 1.000000e+00 : bf16
    %jit3A_524 = arith.constant 0.000000e+00 : bf16
    %broadcast_in_dim3A_525 = vector.broadcast %jit3A_523 : bf16 to vector<8192x128xbf16>
    %broadcast_in_dim3A_526 = vector.broadcast %jit3A_524 : bf16 to vector<8192x128xbf16>
    %select_n3A_527 = arith.select %ge3A_522, %broadcast_in_dim3A_525, %broadcast_in_dim3A_526 : vector<8192x128xi1>, vector<8192x128xbf16>
    %dot_general3A_528 = arith.constant dense<0.000000e+00> : vector<1x128xf32>
    %dot_general3A_529 = tpu.matmul %broadcast_in_dim3A_308, %select_n3A_527, %dot_general3A_528 {dimension_numbers = #tpu.dot_dimension_numbers<[1], [0], [0], [1], [0, 0, 1, 1], [], []>, transpose_lhs_hint = false} : vector<1x8192xbf16>, vector<8192x128xbf16>, vector<1x128xf32> -> vector<1x128xf32>
    %ge3A_530 = arith.constant 3.400000e+01 : f32
    %ge3A_531 = vector.broadcast %ge3A_530 : f32 to vector<1x128xf32>
    %ge3A_532 = arith.cmpf oge, %dot_general3A_529, %ge3A_531 : vector<1x128xf32>
    %select_n3A_533 = arith.select %ge3A_532, %or3A_513, %select_n3A_508 : vector<1x128xi1>, vector<1x128xi32>
    %shift_right_logical3A_534 = arith.constant 32768 : i32
    %shift_right_logical3A_535 = arith.constant 9 : i32
    %shift_right_logical3A_536 = arith.shrui %shift_right_logical3A_534, %shift_right_logical3A_535 : i32
    %or3A_537 = vector.broadcast %shift_right_logical3A_536 : i32 to vector<1x128xi32>
    %or3A_538 = arith.ori %select_n3A_533, %or3A_537 : vector<1x128xi32>
    %xor3A_539 = arith.constant 32768 : i32
    %xor3A_540 = vector.broadcast %xor3A_539 : i32 to vector<1x128xi32>
    %xor3A_541 = arith.xori %or3A_538, %xor3A_540 : vector<1x128xi32>
    %convert_element_type3A_542 = arith.trunci %xor3A_541 : vector<1x128xi32> to vector<1x128xi16>
    %get3A_543 = arith.constant 0 : index
    %get3A_544 = arith.constant 0 : index
    %get3A_545 = vector.load %arg4[%get3A_543, %get3A_544] : memref<8192x128xi16, #tpu.memory_space<vmem>>, vector<8192x128xi16>
    %ge3A_546 = vector.broadcast %convert_element_type3A_542 : vector<1x128xi16> to vector<8192x128xi16>
    %ge3A_547 = arith.cmpi sge, %get3A_545, %ge3A_546 : vector<8192x128xi16>
    %jit3A_548 = arith.constant 1.000000e+00 : bf16
    %jit3A_549 = arith.constant 0.000000e+00 : bf16
    %broadcast_in_dim3A_550 = vector.broadcast %jit3A_548 : bf16 to vector<8192x128xbf16>
    %broadcast_in_dim3A_551 = vector.broadcast %jit3A_549 : bf16 to vector<8192x128xbf16>
    %select_n3A_552 = arith.select %ge3A_547, %broadcast_in_dim3A_550, %broadcast_in_dim3A_551 : vector<8192x128xi1>, vector<8192x128xbf16>
    %dot_general3A_553 = arith.constant dense<0.000000e+00> : vector<1x128xf32>
    %dot_general3A_554 = tpu.matmul %broadcast_in_dim3A_308, %select_n3A_552, %dot_general3A_553 {dimension_numbers = #tpu.dot_dimension_numbers<[1], [0], [0], [1], [0, 0, 1, 1], [], []>, transpose_lhs_hint = false} : vector<1x8192xbf16>, vector<8192x128xbf16>, vector<1x128xf32> -> vector<1x128xf32>
    %ge3A_555 = arith.constant 3.400000e+01 : f32
    %ge3A_556 = vector.broadcast %ge3A_555 : f32 to vector<1x128xf32>
    %ge3A_557 = arith.cmpf oge, %dot_general3A_554, %ge3A_556 : vector<1x128xf32>
    %select_n3A_558 = arith.select %ge3A_557, %or3A_538, %select_n3A_533 : vector<1x128xi1>, vector<1x128xi32>
    %shift_right_logical3A_559 = arith.constant 32768 : i32
    %shift_right_logical3A_560 = arith.constant 10 : i32
    %shift_right_logical3A_561 = arith.shrui %shift_right_logical3A_559, %shift_right_logical3A_560 : i32
    %or3A_562 = vector.broadcast %shift_right_logical3A_561 : i32 to vector<1x128xi32>
    %or3A_563 = arith.ori %select_n3A_558, %or3A_562 : vector<1x128xi32>
    %xor3A_564 = arith.constant 32768 : i32
    %xor3A_565 = vector.broadcast %xor3A_564 : i32 to vector<1x128xi32>
    %xor3A_566 = arith.xori %or3A_563, %xor3A_565 : vector<1x128xi32>
    %convert_element_type3A_567 = arith.trunci %xor3A_566 : vector<1x128xi32> to vector<1x128xi16>
    %get3A_568 = arith.constant 0 : index
    %get3A_569 = arith.constant 0 : index
    %get3A_570 = vector.load %arg4[%get3A_568, %get3A_569] : memref<8192x128xi16, #tpu.memory_space<vmem>>, vector<8192x128xi16>
    %ge3A_571 = vector.broadcast %convert_element_type3A_567 : vector<1x128xi16> to vector<8192x128xi16>
    %ge3A_572 = arith.cmpi sge, %get3A_570, %ge3A_571 : vector<8192x128xi16>
    %jit3A_573 = arith.constant 1.000000e+00 : bf16
    %jit3A_574 = arith.constant 0.000000e+00 : bf16
    %broadcast_in_dim3A_575 = vector.broadcast %jit3A_573 : bf16 to vector<8192x128xbf16>
    %broadcast_in_dim3A_576 = vector.broadcast %jit3A_574 : bf16 to vector<8192x128xbf16>
    %select_n3A_577 = arith.select %ge3A_572, %broadcast_in_dim3A_575, %broadcast_in_dim3A_576 : vector<8192x128xi1>, vector<8192x128xbf16>
    %dot_general3A_578 = arith.constant dense<0.000000e+00> : vector<1x128xf32>
    %dot_general3A_579 = tpu.matmul %broadcast_in_dim3A_308, %select_n3A_577, %dot_general3A_578 {dimension_numbers = #tpu.dot_dimension_numbers<[1], [0], [0], [1], [0, 0, 1, 1], [], []>, transpose_lhs_hint = false} : vector<1x8192xbf16>, vector<8192x128xbf16>, vector<1x128xf32> -> vector<1x128xf32>
    %ge3A_580 = arith.constant 3.400000e+01 : f32
    %ge3A_581 = vector.broadcast %ge3A_580 : f32 to vector<1x128xf32>
    %ge3A_582 = arith.cmpf oge, %dot_general3A_579, %ge3A_581 : vector<1x128xf32>
    %select_n3A_583 = arith.select %ge3A_582, %or3A_563, %select_n3A_558 : vector<1x128xi1>, vector<1x128xi32>
    %shift_right_logical3A_584 = arith.constant 32768 : i32
    %shift_right_logical3A_585 = arith.constant 11 : i32
    %shift_right_logical3A_586 = arith.shrui %shift_right_logical3A_584, %shift_right_logical3A_585 : i32
    %or3A_587 = vector.broadcast %shift_right_logical3A_586 : i32 to vector<1x128xi32>
    %or3A_588 = arith.ori %select_n3A_583, %or3A_587 : vector<1x128xi32>
    %xor3A_589 = arith.constant 32768 : i32
    %xor3A_590 = vector.broadcast %xor3A_589 : i32 to vector<1x128xi32>
    %xor3A_591 = arith.xori %or3A_588, %xor3A_590 : vector<1x128xi32>
    %convert_element_type3A_592 = arith.trunci %xor3A_591 : vector<1x128xi32> to vector<1x128xi16>
    %get3A_593 = arith.constant 0 : index
    %get3A_594 = arith.constant 0 : index
    %get3A_595 = vector.load %arg4[%get3A_593, %get3A_594] : memref<8192x128xi16, #tpu.memory_space<vmem>>, vector<8192x128xi16>
    %ge3A_596 = vector.broadcast %convert_element_type3A_592 : vector<1x128xi16> to vector<8192x128xi16>
    %ge3A_597 = arith.cmpi sge, %get3A_595, %ge3A_596 : vector<8192x128xi16>
    %jit3A_598 = arith.constant 1.000000e+00 : bf16
    %jit3A_599 = arith.constant 0.000000e+00 : bf16
    %broadcast_in_dim3A_600 = vector.broadcast %jit3A_598 : bf16 to vector<8192x128xbf16>
    %broadcast_in_dim3A_601 = vector.broadcast %jit3A_599 : bf16 to vector<8192x128xbf16>
    %select_n3A_602 = arith.select %ge3A_597, %broadcast_in_dim3A_600, %broadcast_in_dim3A_601 : vector<8192x128xi1>, vector<8192x128xbf16>
    %dot_general3A_603 = arith.constant dense<0.000000e+00> : vector<1x128xf32>
    %dot_general3A_604 = tpu.matmul %broadcast_in_dim3A_308, %select_n3A_602, %dot_general3A_603 {dimension_numbers = #tpu.dot_dimension_numbers<[1], [0], [0], [1], [0, 0, 1, 1], [], []>, transpose_lhs_hint = false} : vector<1x8192xbf16>, vector<8192x128xbf16>, vector<1x128xf32> -> vector<1x128xf32>
    %ge3A_605 = arith.constant 3.400000e+01 : f32
    %ge3A_606 = vector.broadcast %ge3A_605 : f32 to vector<1x128xf32>
    %ge3A_607 = arith.cmpf oge, %dot_general3A_604, %ge3A_606 : vector<1x128xf32>
    %select_n3A_608 = arith.select %ge3A_607, %or3A_588, %select_n3A_583 : vector<1x128xi1>, vector<1x128xi32>
    %shift_right_logical3A_609 = arith.constant 32768 : i32
    %shift_right_logical3A_610 = arith.constant 12 : i32
    %shift_right_logical3A_611 = arith.shrui %shift_right_logical3A_609, %shift_right_logical3A_610 : i32
    %or3A_612 = vector.broadcast %shift_right_logical3A_611 : i32 to vector<1x128xi32>
    %or3A_613 = arith.ori %select_n3A_608, %or3A_612 : vector<1x128xi32>
    %xor3A_614 = arith.constant 32768 : i32
    %xor3A_615 = vector.broadcast %xor3A_614 : i32 to vector<1x128xi32>
    %xor3A_616 = arith.xori %or3A_613, %xor3A_615 : vector<1x128xi32>
    %convert_element_type3A_617 = arith.trunci %xor3A_616 : vector<1x128xi32> to vector<1x128xi16>
    %get3A_618 = arith.constant 0 : index
    %get3A_619 = arith.constant 0 : index
    %get3A_620 = vector.load %arg4[%get3A_618, %get3A_619] : memref<8192x128xi16, #tpu.memory_space<vmem>>, vector<8192x128xi16>
    %ge3A_621 = vector.broadcast %convert_element_type3A_617 : vector<1x128xi16> to vector<8192x128xi16>
    %ge3A_622 = arith.cmpi sge, %get3A_620, %ge3A_621 : vector<8192x128xi16>
    %jit3A_623 = arith.constant 1.000000e+00 : bf16
    %jit3A_624 = arith.constant 0.000000e+00 : bf16
    %broadcast_in_dim3A_625 = vector.broadcast %jit3A_623 : bf16 to vector<8192x128xbf16>
    %broadcast_in_dim3A_626 = vector.broadcast %jit3A_624 : bf16 to vector<8192x128xbf16>
    %select_n3A_627 = arith.select %ge3A_622, %broadcast_in_dim3A_625, %broadcast_in_dim3A_626 : vector<8192x128xi1>, vector<8192x128xbf16>
    %dot_general3A_628 = arith.constant dense<0.000000e+00> : vector<1x128xf32>
    %dot_general3A_629 = tpu.matmul %broadcast_in_dim3A_308, %select_n3A_627, %dot_general3A_628 {dimension_numbers = #tpu.dot_dimension_numbers<[1], [0], [0], [1], [0, 0, 1, 1], [], []>, transpose_lhs_hint = false} : vector<1x8192xbf16>, vector<8192x128xbf16>, vector<1x128xf32> -> vector<1x128xf32>
    %ge3A_630 = arith.constant 3.400000e+01 : f32
    %ge3A_631 = vector.broadcast %ge3A_630 : f32 to vector<1x128xf32>
    %ge3A_632 = arith.cmpf oge, %dot_general3A_629, %ge3A_631 : vector<1x128xf32>
    %select_n3A_633 = arith.select %ge3A_632, %or3A_613, %select_n3A_608 : vector<1x128xi1>, vector<1x128xi32>
    %shift_right_logical3A_634 = arith.constant 32768 : i32
    %shift_right_logical3A_635 = arith.constant 13 : i32
    %shift_right_logical3A_636 = arith.shrui %shift_right_logical3A_634, %shift_right_logical3A_635 : i32
    %or3A_637 = vector.broadcast %shift_right_logical3A_636 : i32 to vector<1x128xi32>
    %or3A_638 = arith.ori %select_n3A_633, %or3A_637 : vector<1x128xi32>
    %xor3A_639 = arith.constant 32768 : i32
    %xor3A_640 = vector.broadcast %xor3A_639 : i32 to vector<1x128xi32>
    %xor3A_641 = arith.xori %or3A_638, %xor3A_640 : vector<1x128xi32>
    %convert_element_type3A_642 = arith.trunci %xor3A_641 : vector<1x128xi32> to vector<1x128xi16>
    %get3A_643 = arith.constant 0 : index
    %get3A_644 = arith.constant 0 : index
    %get3A_645 = vector.load %arg4[%get3A_643, %get3A_644] : memref<8192x128xi16, #tpu.memory_space<vmem>>, vector<8192x128xi16>
    %ge3A_646 = vector.broadcast %convert_element_type3A_642 : vector<1x128xi16> to vector<8192x128xi16>
    %ge3A_647 = arith.cmpi sge, %get3A_645, %ge3A_646 : vector<8192x128xi16>
    %jit3A_648 = arith.constant 1.000000e+00 : bf16
    %jit3A_649 = arith.constant 0.000000e+00 : bf16
    %broadcast_in_dim3A_650 = vector.broadcast %jit3A_648 : bf16 to vector<8192x128xbf16>
    %broadcast_in_dim3A_651 = vector.broadcast %jit3A_649 : bf16 to vector<8192x128xbf16>
    %select_n3A_652 = arith.select %ge3A_647, %broadcast_in_dim3A_650, %broadcast_in_dim3A_651 : vector<8192x128xi1>, vector<8192x128xbf16>
    %dot_general3A_653 = arith.constant dense<0.000000e+00> : vector<1x128xf32>
    %dot_general3A_654 = tpu.matmul %broadcast_in_dim3A_308, %select_n3A_652, %dot_general3A_653 {dimension_numbers = #tpu.dot_dimension_numbers<[1], [0], [0], [1], [0, 0, 1, 1], [], []>, transpose_lhs_hint = false} : vector<1x8192xbf16>, vector<8192x128xbf16>, vector<1x128xf32> -> vector<1x128xf32>
    %ge3A_655 = arith.constant 3.400000e+01 : f32
    %ge3A_656 = vector.broadcast %ge3A_655 : f32 to vector<1x128xf32>
    %ge3A_657 = arith.cmpf oge, %dot_general3A_654, %ge3A_656 : vector<1x128xf32>
    %select_n3A_658 = arith.select %ge3A_657, %or3A_638, %select_n3A_633 : vector<1x128xi1>, vector<1x128xi32>
    %shift_right_logical3A_659 = arith.constant 32768 : i32
    %shift_right_logical3A_660 = arith.constant 14 : i32
    %shift_right_logical3A_661 = arith.shrui %shift_right_logical3A_659, %shift_right_logical3A_660 : i32
    %or3A_662 = vector.broadcast %shift_right_logical3A_661 : i32 to vector<1x128xi32>
    %or3A_663 = arith.ori %select_n3A_658, %or3A_662 : vector<1x128xi32>
    %xor3A_664 = arith.constant 32768 : i32
    %xor3A_665 = vector.broadcast %xor3A_664 : i32 to vector<1x128xi32>
    %xor3A_666 = arith.xori %or3A_663, %xor3A_665 : vector<1x128xi32>
    %convert_element_type3A_667 = arith.trunci %xor3A_666 : vector<1x128xi32> to vector<1x128xi16>
    %get3A_668 = arith.constant 0 : index
    %get3A_669 = arith.constant 0 : index
    %get3A_670 = vector.load %arg4[%get3A_668, %get3A_669] : memref<8192x128xi16, #tpu.memory_space<vmem>>, vector<8192x128xi16>
    %ge3A_671 = vector.broadcast %convert_element_type3A_667 : vector<1x128xi16> to vector<8192x128xi16>
    %ge3A_672 = arith.cmpi sge, %get3A_670, %ge3A_671 : vector<8192x128xi16>
    %jit3A_673 = arith.constant 1.000000e+00 : bf16
    %jit3A_674 = arith.constant 0.000000e+00 : bf16
    %broadcast_in_dim3A_675 = vector.broadcast %jit3A_673 : bf16 to vector<8192x128xbf16>
    %broadcast_in_dim3A_676 = vector.broadcast %jit3A_674 : bf16 to vector<8192x128xbf16>
    %select_n3A_677 = arith.select %ge3A_672, %broadcast_in_dim3A_675, %broadcast_in_dim3A_676 : vector<8192x128xi1>, vector<8192x128xbf16>
    %dot_general3A_678 = arith.constant dense<0.000000e+00> : vector<1x128xf32>
    %dot_general3A_679 = tpu.matmul %broadcast_in_dim3A_308, %select_n3A_677, %dot_general3A_678 {dimension_numbers = #tpu.dot_dimension_numbers<[1], [0], [0], [1], [0, 0, 1, 1], [], []>, transpose_lhs_hint = false} : vector<1x8192xbf16>, vector<8192x128xbf16>, vector<1x128xf32> -> vector<1x128xf32>
    %ge3A_680 = arith.constant 3.400000e+01 : f32
    %ge3A_681 = vector.broadcast %ge3A_680 : f32 to vector<1x128xf32>
    %ge3A_682 = arith.cmpf oge, %dot_general3A_679, %ge3A_681 : vector<1x128xf32>
    %select_n3A_683 = arith.select %ge3A_682, %or3A_663, %select_n3A_658 : vector<1x128xi1>, vector<1x128xi32>
    %shift_right_logical3A_684 = arith.constant 32768 : i32
    %shift_right_logical3A_685 = arith.constant 15 : i32
    %shift_right_logical3A_686 = arith.shrui %shift_right_logical3A_684, %shift_right_logical3A_685 : i32
    %or3A_687 = vector.broadcast %shift_right_logical3A_686 : i32 to vector<1x128xi32>
    %or3A_688 = arith.ori %select_n3A_683, %or3A_687 : vector<1x128xi32>
    %xor3A_689 = arith.constant 32768 : i32
    %xor3A_690 = vector.broadcast %xor3A_689 : i32 to vector<1x128xi32>
    %xor3A_691 = arith.xori %or3A_688, %xor3A_690 : vector<1x128xi32>
    %convert_element_type3A_692 = arith.trunci %xor3A_691 : vector<1x128xi32> to vector<1x128xi16>
    %get3A_693 = arith.constant 0 : index
    %get3A_694 = arith.constant 0 : index
    %get3A_695 = vector.load %arg4[%get3A_693, %get3A_694] : memref<8192x128xi16, #tpu.memory_space<vmem>>, vector<8192x128xi16>
    %ge3A_696 = vector.broadcast %convert_element_type3A_692 : vector<1x128xi16> to vector<8192x128xi16>
    %ge3A_697 = arith.cmpi sge, %get3A_695, %ge3A_696 : vector<8192x128xi16>
    %jit3A_698 = arith.constant 1.000000e+00 : bf16
    %jit3A_699 = arith.constant 0.000000e+00 : bf16
    %broadcast_in_dim3A_700 = vector.broadcast %jit3A_698 : bf16 to vector<8192x128xbf16>
    %broadcast_in_dim3A_701 = vector.broadcast %jit3A_699 : bf16 to vector<8192x128xbf16>
    %select_n3A_702 = arith.select %ge3A_697, %broadcast_in_dim3A_700, %broadcast_in_dim3A_701 : vector<8192x128xi1>, vector<8192x128xbf16>
    %dot_general3A_703 = arith.constant dense<0.000000e+00> : vector<1x128xf32>
    %dot_general3A_704 = tpu.matmul %broadcast_in_dim3A_308, %select_n3A_702, %dot_general3A_703 {dimension_numbers = #tpu.dot_dimension_numbers<[1], [0], [0], [1], [0, 0, 1, 1], [], []>, transpose_lhs_hint = false} : vector<1x8192xbf16>, vector<8192x128xbf16>, vector<1x128xf32> -> vector<1x128xf32>
    %ge3A_705 = arith.constant 3.400000e+01 : f32
    %ge3A_706 = vector.broadcast %ge3A_705 : f32 to vector<1x128xf32>
    %ge3A_707 = arith.cmpf oge, %dot_general3A_704, %ge3A_706 : vector<1x128xf32>
    %select_n3A_708 = arith.select %ge3A_707, %or3A_688, %select_n3A_683 : vector<1x128xi1>, vector<1x128xi32>
    %xor3A_709 = arith.constant 32768 : i32
    %xor3A_710 = vector.broadcast %xor3A_709 : i32 to vector<1x128xi32>
    %xor3A_711 = arith.xori %select_n3A_708, %xor3A_710 : vector<1x128xi32>
    %convert_element_type3A_712 = arith.trunci %xor3A_711 : vector<1x128xi32> to vector<1x128xi16>
    %get3A_713 = arith.constant 0 : index
    %get3A_714 = arith.constant 0 : index
    %get3A_715 = vector.load %arg4[%get3A_713, %get3A_714] : memref<8192x128xi16, #tpu.memory_space<vmem>>, vector<8192x128xi16>
    %gt3A = vector.broadcast %convert_element_type3A_712 : vector<1x128xi16> to vector<8192x128xi16>
    %gt3A_716 = arith.cmpi sgt, %get3A_715, %gt3A : vector<8192x128xi16>
    %jit3A_717 = arith.constant 1.000000e+00 : bf16
    %jit3A_718 = arith.constant 0.000000e+00 : bf16
    %broadcast_in_dim3A_719 = vector.broadcast %jit3A_717 : bf16 to vector<8192x128xbf16>
    %broadcast_in_dim3A_720 = vector.broadcast %jit3A_718 : bf16 to vector<8192x128xbf16>
    %select_n3A_721 = arith.select %gt3A_716, %broadcast_in_dim3A_719, %broadcast_in_dim3A_720 : vector<8192x128xi1>, vector<8192x128xbf16>
    %dot_general3A_722 = arith.constant dense<0.000000e+00> : vector<1x128xf32>
    %dot_general3A_723 = tpu.matmul %broadcast_in_dim3A_308, %select_n3A_721, %dot_general3A_722 {dimension_numbers = #tpu.dot_dimension_numbers<[1], [0], [0], [1], [0, 0, 1, 1], [], []>, transpose_lhs_hint = false} : vector<1x8192xbf16>, vector<8192x128xbf16>, vector<1x128xf32> -> vector<1x128xf32>
    %sub3A = arith.constant 3.400000e+01 : f32
    %sub3A_724 = vector.broadcast %sub3A : f32 to vector<1x128xf32>
    %sub3A_725 = arith.subf %sub3A_724, %dot_general3A_723 : vector<1x128xf32>
    %get3A_726 = arith.constant 0 : index
    %get3A_727 = arith.constant 0 : index
    %get3A_728 = vector.load %arg4[%get3A_726, %get3A_727] : memref<8192x128xi16, #tpu.memory_space<vmem>>, vector<1024x128xi16>
    %eq3A = vector.broadcast %convert_element_type3A_712 : vector<1x128xi16> to vector<1024x128xi16>
    %eq3A_729 = arith.cmpi eq, %get3A_728, %eq3A : vector<1024x128xi16>
    %get3A_730 = arith.constant 0 : index
    %get3A_731 = arith.constant 0 : index
    %get3A_732 = vector.load %arg5[%get3A_730, %get3A_731] : memref<8192x128xi16, #tpu.memory_space<vmem>>, vector<1024x128xi16>
    %jit3A_733 = arith.constant -32768 : i16
    %broadcast_in_dim3A_734 = vector.broadcast %jit3A_733 : i16 to vector<1024x128xi16>
    %select_n3A_735 = arith.select %eq3A_729, %get3A_732, %broadcast_in_dim3A_734 : vector<1024x128xi1>, vector<1024x128xi16>
    %swap3A_736 = arith.constant 0 : index
    %swap3A_737 = arith.constant 0 : index
    %swap3A_738 = vector.load %arg4[%swap3A_736, %swap3A_737] : memref<8192x128xi16, #tpu.memory_space<vmem>>, vector<1024x128xi16>
    tpu.vector_store %arg4[%swap3A_736, %swap3A_737], %select_n3A_735 {strides = array<i32>} : memref<8192x128xi16, #tpu.memory_space<vmem>>, vector<1024x128xi16>,
    %get3A_739 = arith.constant 1024 : index
    %get3A_740 = arith.constant 0 : index
    %get3A_741 = vector.load %arg4[%get3A_739, %get3A_740] : memref<8192x128xi16, #tpu.memory_space<vmem>>, vector<1024x128xi16>
    %eq3A_742 = vector.broadcast %convert_element_type3A_712 : vector<1x128xi16> to vector<1024x128xi16>
    %eq3A_743 = arith.cmpi eq, %get3A_741, %eq3A_742 : vector<1024x128xi16>
    %get3A_744 = arith.constant 1024 : index
    %get3A_745 = arith.constant 0 : index
    %get3A_746 = vector.load %arg5[%get3A_744, %get3A_745] : memref<8192x128xi16, #tpu.memory_space<vmem>>, vector<1024x128xi16>
    %jit3A_747 = arith.constant -32768 : i16
    %broadcast_in_dim3A_748 = vector.broadcast %jit3A_747 : i16 to vector<1024x128xi16>
    %select_n3A_749 = arith.select %eq3A_743, %get3A_746, %broadcast_in_dim3A_748 : vector<1024x128xi1>, vector<1024x128xi16>
    %swap3A_750 = arith.constant 1024 : index
    %swap3A_751 = arith.constant 0 : index
    %swap3A_752 = vector.load %arg4[%swap3A_750, %swap3A_751] : memref<8192x128xi16, #tpu.memory_space<vmem>>, vector<1024x128xi16>
    tpu.vector_store %arg4[%swap3A_750, %swap3A_751], %select_n3A_749 {strides = array<i32>} : memref<8192x128xi16, #tpu.memory_space<vmem>>, vector<1024x128xi16>,
    %get3A_753 = arith.constant 2048 : index
    %get3A_754 = arith.constant 0 : index
    %get3A_755 = vector.load %arg4[%get3A_753, %get3A_754] : memref<8192x128xi16, #tpu.memory_space<vmem>>, vector<1024x128xi16>
    %eq3A_756 = vector.broadcast %convert_element_type3A_712 : vector<1x128xi16> to vector<1024x128xi16>
    %eq3A_757 = arith.cmpi eq, %get3A_755, %eq3A_756 : vector<1024x128xi16>
    %get3A_758 = arith.constant 2048 : index
    %get3A_759 = arith.constant 0 : index
    %get3A_760 = vector.load %arg5[%get3A_758, %get3A_759] : memref<8192x128xi16, #tpu.memory_space<vmem>>, vector<1024x128xi16>
    %jit3A_761 = arith.constant -32768 : i16
    %broadcast_in_dim3A_762 = vector.broadcast %jit3A_761 : i16 to vector<1024x128xi16>
    %select_n3A_763 = arith.select %eq3A_757, %get3A_760, %broadcast_in_dim3A_762 : vector<1024x128xi1>, vector<1024x128xi16>
    %swap3A_764 = arith.constant 2048 : index
    %swap3A_765 = arith.constant 0 : index
    %swap3A_766 = vector.load %arg4[%swap3A_764, %swap3A_765] : memref<8192x128xi16, #tpu.memory_space<vmem>>, vector<1024x128xi16>
    tpu.vector_store %arg4[%swap3A_764, %swap3A_765], %select_n3A_763 {strides = array<i32>} : memref<8192x128xi16, #tpu.memory_space<vmem>>, vector<1024x128xi16>,
    %get3A_767 = arith.constant 3072 : index
    %get3A_768 = arith.constant 0 : index
    %get3A_769 = vector.load %arg4[%get3A_767, %get3A_768] : memref<8192x128xi16, #tpu.memory_space<vmem>>, vector<1024x128xi16>
    %eq3A_770 = vector.broadcast %convert_element_type3A_712 : vector<1x128xi16> to vector<1024x128xi16>
    %eq3A_771 = arith.cmpi eq, %get3A_769, %eq3A_770 : vector<1024x128xi16>
    %get3A_772 = arith.constant 3072 : index
    %get3A_773 = arith.constant 0 : index
    %get3A_774 = vector.load %arg5[%get3A_772, %get3A_773] : memref<8192x128xi16, #tpu.memory_space<vmem>>, vector<1024x128xi16>
    %jit3A_775 = arith.constant -32768 : i16
    %broadcast_in_dim3A_776 = vector.broadcast %jit3A_775 : i16 to vector<1024x128xi16>
    %select_n3A_777 = arith.select %eq3A_771, %get3A_774, %broadcast_in_dim3A_776 : vector<1024x128xi1>, vector<1024x128xi16>
    %swap3A_778 = arith.constant 3072 : index
    %swap3A_779 = arith.constant 0 : index
    %swap3A_780 = vector.load %arg4[%swap3A_778, %swap3A_779] : memref<8192x128xi16, #tpu.memory_space<vmem>>, vector<1024x128xi16>
    tpu.vector_store %arg4[%swap3A_778, %swap3A_779], %select_n3A_777 {strides = array<i32>} : memref<8192x128xi16, #tpu.memory_space<vmem>>, vector<1024x128xi16>,
    %get3A_781 = arith.constant 4096 : index
    %get3A_782 = arith.constant 0 : index
    %get3A_783 = vector.load %arg4[%get3A_781, %get3A_782] : memref<8192x128xi16, #tpu.memory_space<vmem>>, vector<1024x128xi16>
    %eq3A_784 = vector.broadcast %convert_element_type3A_712 : vector<1x128xi16> to vector<1024x128xi16>
    %eq3A_785 = arith.cmpi eq, %get3A_783, %eq3A_784 : vector<1024x128xi16>
    %get3A_786 = arith.constant 4096 : index
    %get3A_787 = arith.constant 0 : index
    %get3A_788 = vector.load %arg5[%get3A_786, %get3A_787] : memref<8192x128xi16, #tpu.memory_space<vmem>>, vector<1024x128xi16>
    %jit3A_789 = arith.constant -32768 : i16
    %broadcast_in_dim3A_790 = vector.broadcast %jit3A_789 : i16 to vector<1024x128xi16>
    %select_n3A_791 = arith.select %eq3A_785, %get3A_788, %broadcast_in_dim3A_790 : vector<1024x128xi1>, vector<1024x128xi16>
    %swap3A_792 = arith.constant 4096 : index
    %swap3A_793 = arith.constant 0 : index
    %swap3A_794 = vector.load %arg4[%swap3A_792, %swap3A_793] : memref<8192x128xi16, #tpu.memory_space<vmem>>, vector<1024x128xi16>
    tpu.vector_store %arg4[%swap3A_792, %swap3A_793], %select_n3A_791 {strides = array<i32>} : memref<8192x128xi16, #tpu.memory_space<vmem>>, vector<1024x128xi16>,
    %get3A_795 = arith.constant 5120 : index
    %get3A_796 = arith.constant 0 : index
    %get3A_797 = vector.load %arg4[%get3A_795, %get3A_796] : memref<8192x128xi16, #tpu.memory_space<vmem>>, vector<1024x128xi16>
    %eq3A_798 = vector.broadcast %convert_element_type3A_712 : vector<1x128xi16> to vector<1024x128xi16>
    %eq3A_799 = arith.cmpi eq, %get3A_797, %eq3A_798 : vector<1024x128xi16>
    %get3A_800 = arith.constant 5120 : index
    %get3A_801 = arith.constant 0 : index
    %get3A_802 = vector.load %arg5[%get3A_800, %get3A_801] : memref<8192x128xi16, #tpu.memory_space<vmem>>, vector<1024x128xi16>
    %jit3A_803 = arith.constant -32768 : i16
    %broadcast_in_dim3A_804 = vector.broadcast %jit3A_803 : i16 to vector<1024x128xi16>
    %select_n3A_805 = arith.select %eq3A_799, %get3A_802, %broadcast_in_dim3A_804 : vector<1024x128xi1>, vector<1024x128xi16>
    %swap3A_806 = arith.constant 5120 : index
    %swap3A_807 = arith.constant 0 : index
    %swap3A_808 = vector.load %arg4[%swap3A_806, %swap3A_807] : memref<8192x128xi16, #tpu.memory_space<vmem>>, vector<1024x128xi16>
    tpu.vector_store %arg4[%swap3A_806, %swap3A_807], %select_n3A_805 {strides = array<i32>} : memref<8192x128xi16, #tpu.memory_space<vmem>>, vector<1024x128xi16>,
    %get3A_809 = arith.constant 6144 : index
    %get3A_810 = arith.constant 0 : index
    %get3A_811 = vector.load %arg4[%get3A_809, %get3A_810] : memref<8192x128xi16, #tpu.memory_space<vmem>>, vector<1024x128xi16>
    %eq3A_812 = vector.broadcast %convert_element_type3A_712 : vector<1x128xi16> to vector<1024x128xi16>
    %eq3A_813 = arith.cmpi eq, %get3A_811, %eq3A_812 : vector<1024x128xi16>
    %get3A_814 = arith.constant 6144 : index
    %get3A_815 = arith.constant 0 : index
    %get3A_816 = vector.load %arg5[%get3A_814, %get3A_815] : memref<8192x128xi16, #tpu.memory_space<vmem>>, vector<1024x128xi16>
    %jit3A_817 = arith.constant -32768 : i16
    %broadcast_in_dim3A_818 = vector.broadcast %jit3A_817 : i16 to vector<1024x128xi16>
    %select_n3A_819 = arith.select %eq3A_813, %get3A_816, %broadcast_in_dim3A_818 : vector<1024x128xi1>, vector<1024x128xi16>
    %swap3A_820 = arith.constant 6144 : index
    %swap3A_821 = arith.constant 0 : index
    %swap3A_822 = vector.load %arg4[%swap3A_820, %swap3A_821] : memref<8192x128xi16, #tpu.memory_space<vmem>>, vector<1024x128xi16>
    tpu.vector_store %arg4[%swap3A_820, %swap3A_821], %select_n3A_819 {strides = array<i32>} : memref<8192x128xi16, #tpu.memory_space<vmem>>, vector<1024x128xi16>,
    %get3A_823 = arith.constant 7168 : index
    %get3A_824 = arith.constant 0 : index
    %get3A_825 = vector.load %arg4[%get3A_823, %get3A_824] : memref<8192x128xi16, #tpu.memory_space<vmem>>, vector<1024x128xi16>
    %eq3A_826 = vector.broadcast %convert_element_type3A_712 : vector<1x128xi16> to vector<1024x128xi16>
    %eq3A_827 = arith.cmpi eq, %get3A_825, %eq3A_826 : vector<1024x128xi16>
    %get3A_828 = arith.constant 7168 : index
    %get3A_829 = arith.constant 0 : index
    %get3A_830 = vector.load %arg5[%get3A_828, %get3A_829] : memref<8192x128xi16, #tpu.memory_space<vmem>>, vector<1024x128xi16>
    %jit3A_831 = arith.constant -32768 : i16
    %broadcast_in_dim3A_832 = vector.broadcast %jit3A_831 : i16 to vector<1024x128xi16>
    %select_n3A_833 = arith.select %eq3A_827, %get3A_830, %broadcast_in_dim3A_832 : vector<1024x128xi1>, vector<1024x128xi16>
    %swap3A_834 = arith.constant 7168 : index
    %swap3A_835 = arith.constant 0 : index
    %swap3A_836 = vector.load %arg4[%swap3A_834, %swap3A_835] : memref<8192x128xi16, #tpu.memory_space<vmem>>, vector<1024x128xi16>
    tpu.vector_store %arg4[%swap3A_834, %swap3A_835], %select_n3A_833 {strides = array<i32>} : memref<8192x128xi16, #tpu.memory_space<vmem>>, vector<1024x128xi16>,
    %broadcast_in_dim3A_837 = arith.constant 0 : i32
    %broadcast_in_dim3A_838 = vector.broadcast %broadcast_in_dim3A_837 : i32 to vector<1x128xi32>
    %shift_right_logical3A_839 = arith.constant 32768 : i32
    %shift_right_logical3A_840 = arith.constant 0 : i32
    %shift_right_logical3A_841 = arith.shrui %shift_right_logical3A_839, %shift_right_logical3A_840 : i32
    %or3A_842 = vector.broadcast %shift_right_logical3A_841 : i32 to vector<1x128xi32>
    %or3A_843 = arith.ori %broadcast_in_dim3A_838, %or3A_842 : vector<1x128xi32>
    %xor3A_844 = arith.constant 32768 : i32
    %xor3A_845 = vector.broadcast %xor3A_844 : i32 to vector<1x128xi32>
    %xor3A_846 = arith.xori %or3A_843, %xor3A_845 : vector<1x128xi32>
    %convert_element_type3A_847 = arith.trunci %xor3A_846 : vector<1x128xi32> to vector<1x128xi16>
    %get3A_848 = arith.constant 0 : index
    %get3A_849 = arith.constant 0 : index
    %get3A_850 = vector.load %arg4[%get3A_848, %get3A_849] : memref<8192x128xi16, #tpu.memory_space<vmem>>, vector<8192x128xi16>
    %ge3A_851 = vector.broadcast %convert_element_type3A_847 : vector<1x128xi16> to vector<8192x128xi16>
    %ge3A_852 = arith.cmpi sge, %get3A_850, %ge3A_851 : vector<8192x128xi16>
    %jit3A_853 = arith.constant 1.000000e+00 : bf16
    %jit3A_854 = arith.constant 0.000000e+00 : bf16
    %broadcast_in_dim3A_855 = vector.broadcast %jit3A_853 : bf16 to vector<8192x128xbf16>
    %broadcast_in_dim3A_856 = vector.broadcast %jit3A_854 : bf16 to vector<8192x128xbf16>
    %select_n3A_857 = arith.select %ge3A_852, %broadcast_in_dim3A_855, %broadcast_in_dim3A_856 : vector<8192x128xi1>, vector<8192x128xbf16>
    %dot_general3A_858 = arith.constant dense<0.000000e+00> : vector<1x128xf32>
    %dot_general3A_859 = tpu.matmul %broadcast_in_dim3A_308, %select_n3A_857, %dot_general3A_858 {dimension_numbers = #tpu.dot_dimension_numbers<[1], [0], [0], [1], [0, 0, 1, 1], [], []>, transpose_lhs_hint = false} : vector<1x8192xbf16>, vector<8192x128xbf16>, vector<1x128xf32> -> vector<1x128xf32>
    %ge3A_860 = arith.cmpf oge, %dot_general3A_859, %sub3A_725 : vector<1x128xf32>
    %select_n3A_861 = arith.select %ge3A_860, %or3A_843, %broadcast_in_dim3A_838 : vector<1x128xi1>, vector<1x128xi32>
    %shift_right_logical3A_862 = arith.constant 32768 : i32
    %shift_right_logical3A_863 = arith.constant 1 : i32
    %shift_right_logical3A_864 = arith.shrui %shift_right_logical3A_862, %shift_right_logical3A_863 : i32
    %or3A_865 = vector.broadcast %shift_right_logical3A_864 : i32 to vector<1x128xi32>
    %or3A_866 = arith.ori %select_n3A_861, %or3A_865 : vector<1x128xi32>
    %xor3A_867 = arith.constant 32768 : i32
    %xor3A_868 = vector.broadcast %xor3A_867 : i32 to vector<1x128xi32>
    %xor3A_869 = arith.xori %or3A_866, %xor3A_868 : vector<1x128xi32>
    %convert_element_type3A_870 = arith.trunci %xor3A_869 : vector<1x128xi32> to vector<1x128xi16>
    %get3A_871 = arith.constant 0 : index
    %get3A_872 = arith.constant 0 : index
    %get3A_873 = vector.load %arg4[%get3A_871, %get3A_872] : memref<8192x128xi16, #tpu.memory_space<vmem>>, vector<8192x128xi16>
    %ge3A_874 = vector.broadcast %convert_element_type3A_870 : vector<1x128xi16> to vector<8192x128xi16>
    %ge3A_875 = arith.cmpi sge, %get3A_873, %ge3A_874 : vector<8192x128xi16>
    %jit3A_876 = arith.constant 1.000000e+00 : bf16
    %jit3A_877 = arith.constant 0.000000e+00 : bf16
    %broadcast_in_dim3A_878 = vector.broadcast %jit3A_876 : bf16 to vector<8192x128xbf16>
    %broadcast_in_dim3A_879 = vector.broadcast %jit3A_877 : bf16 to vector<8192x128xbf16>
    %select_n3A_880 = arith.select %ge3A_875, %broadcast_in_dim3A_878, %broadcast_in_dim3A_879 : vector<8192x128xi1>, vector<8192x128xbf16>
    %dot_general3A_881 = arith.constant dense<0.000000e+00> : vector<1x128xf32>
    %dot_general3A_882 = tpu.matmul %broadcast_in_dim3A_308, %select_n3A_880, %dot_general3A_881 {dimension_numbers = #tpu.dot_dimension_numbers<[1], [0], [0], [1], [0, 0, 1, 1], [], []>, transpose_lhs_hint = false} : vector<1x8192xbf16>, vector<8192x128xbf16>, vector<1x128xf32> -> vector<1x128xf32>
    %ge3A_883 = arith.cmpf oge, %dot_general3A_882, %sub3A_725 : vector<1x128xf32>
    %select_n3A_884 = arith.select %ge3A_883, %or3A_866, %select_n3A_861 : vector<1x128xi1>, vector<1x128xi32>
    %shift_right_logical3A_885 = arith.constant 32768 : i32
    %shift_right_logical3A_886 = arith.constant 2 : i32
    %shift_right_logical3A_887 = arith.shrui %shift_right_logical3A_885, %shift_right_logical3A_886 : i32
    %or3A_888 = vector.broadcast %shift_right_logical3A_887 : i32 to vector<1x128xi32>
    %or3A_889 = arith.ori %select_n3A_884, %or3A_888 : vector<1x128xi32>
    %xor3A_890 = arith.constant 32768 : i32
    %xor3A_891 = vector.broadcast %xor3A_890 : i32 to vector<1x128xi32>
    %xor3A_892 = arith.xori %or3A_889, %xor3A_891 : vector<1x128xi32>
    %convert_element_type3A_893 = arith.trunci %xor3A_892 : vector<1x128xi32> to vector<1x128xi16>
    %get3A_894 = arith.constant 0 : index
    %get3A_895 = arith.constant 0 : index
    %get3A_896 = vector.load %arg4[%get3A_894, %get3A_895] : memref<8192x128xi16, #tpu.memory_space<vmem>>, vector<8192x128xi16>
    %ge3A_897 = vector.broadcast %convert_element_type3A_893 : vector<1x128xi16> to vector<8192x128xi16>
    %ge3A_898 = arith.cmpi sge, %get3A_896, %ge3A_897 : vector<8192x128xi16>
    %jit3A_899 = arith.constant 1.000000e+00 : bf16
    %jit3A_900 = arith.constant 0.000000e+00 : bf16
    %broadcast_in_dim3A_901 = vector.broadcast %jit3A_899 : bf16 to vector<8192x128xbf16>
    %broadcast_in_dim3A_902 = vector.broadcast %jit3A_900 : bf16 to vector<8192x128xbf16>
    %select_n3A_903 = arith.select %ge3A_898, %broadcast_in_dim3A_901, %broadcast_in_dim3A_902 : vector<8192x128xi1>, vector<8192x128xbf16>
    %dot_general3A_904 = arith.constant dense<0.000000e+00> : vector<1x128xf32>
    %dot_general3A_905 = tpu.matmul %broadcast_in_dim3A_308, %select_n3A_903, %dot_general3A_904 {dimension_numbers = #tpu.dot_dimension_numbers<[1], [0], [0], [1], [0, 0, 1, 1], [], []>, transpose_lhs_hint = false} : vector<1x8192xbf16>, vector<8192x128xbf16>, vector<1x128xf32> -> vector<1x128xf32>
    %ge3A_906 = arith.cmpf oge, %dot_general3A_905, %sub3A_725 : vector<1x128xf32>
    %select_n3A_907 = arith.select %ge3A_906, %or3A_889, %select_n3A_884 : vector<1x128xi1>, vector<1x128xi32>
    %shift_right_logical3A_908 = arith.constant 32768 : i32
    %shift_right_logical3A_909 = arith.constant 3 : i32
    %shift_right_logical3A_910 = arith.shrui %shift_right_logical3A_908, %shift_right_logical3A_909 : i32
    %or3A_911 = vector.broadcast %shift_right_logical3A_910 : i32 to vector<1x128xi32>
    %or3A_912 = arith.ori %select_n3A_907, %or3A_911 : vector<1x128xi32>
    %xor3A_913 = arith.constant 32768 : i32
    %xor3A_914 = vector.broadcast %xor3A_913 : i32 to vector<1x128xi32>
    %xor3A_915 = arith.xori %or3A_912, %xor3A_914 : vector<1x128xi32>
    %convert_element_type3A_916 = arith.trunci %xor3A_915 : vector<1x128xi32> to vector<1x128xi16>
    %get3A_917 = arith.constant 0 : index
    %get3A_918 = arith.constant 0 : index
    %get3A_919 = vector.load %arg4[%get3A_917, %get3A_918] : memref<8192x128xi16, #tpu.memory_space<vmem>>, vector<8192x128xi16>
    %ge3A_920 = vector.broadcast %convert_element_type3A_916 : vector<1x128xi16> to vector<8192x128xi16>
    %ge3A_921 = arith.cmpi sge, %get3A_919, %ge3A_920 : vector<8192x128xi16>
    %jit3A_922 = arith.constant 1.000000e+00 : bf16
    %jit3A_923 = arith.constant 0.000000e+00 : bf16
    %broadcast_in_dim3A_924 = vector.broadcast %jit3A_922 : bf16 to vector<8192x128xbf16>
    %broadcast_in_dim3A_925 = vector.broadcast %jit3A_923 : bf16 to vector<8192x128xbf16>
    %select_n3A_926 = arith.select %ge3A_921, %broadcast_in_dim3A_924, %broadcast_in_dim3A_925 : vector<8192x128xi1>, vector<8192x128xbf16>
    %dot_general3A_927 = arith.constant dense<0.000000e+00> : vector<1x128xf32>
    %dot_general3A_928 = tpu.matmul %broadcast_in_dim3A_308, %select_n3A_926, %dot_general3A_927 {dimension_numbers = #tpu.dot_dimension_numbers<[1], [0], [0], [1], [0, 0, 1, 1], [], []>, transpose_lhs_hint = false} : vector<1x8192xbf16>, vector<8192x128xbf16>, vector<1x128xf32> -> vector<1x128xf32>
    %ge3A_929 = arith.cmpf oge, %dot_general3A_928, %sub3A_725 : vector<1x128xf32>
    %select_n3A_930 = arith.select %ge3A_929, %or3A_912, %select_n3A_907 : vector<1x128xi1>, vector<1x128xi32>
    %shift_right_logical3A_931 = arith.constant 32768 : i32
    %shift_right_logical3A_932 = arith.constant 4 : i32
    %shift_right_logical3A_933 = arith.shrui %shift_right_logical3A_931, %shift_right_logical3A_932 : i32
    %or3A_934 = vector.broadcast %shift_right_logical3A_933 : i32 to vector<1x128xi32>
    %or3A_935 = arith.ori %select_n3A_930, %or3A_934 : vector<1x128xi32>
    %xor3A_936 = arith.constant 32768 : i32
    %xor3A_937 = vector.broadcast %xor3A_936 : i32 to vector<1x128xi32>
    %xor3A_938 = arith.xori %or3A_935, %xor3A_937 : vector<1x128xi32>
    %convert_element_type3A_939 = arith.trunci %xor3A_938 : vector<1x128xi32> to vector<1x128xi16>
    %get3A_940 = arith.constant 0 : index
    %get3A_941 = arith.constant 0 : index
    %get3A_942 = vector.load %arg4[%get3A_940, %get3A_941] : memref<8192x128xi16, #tpu.memory_space<vmem>>, vector<8192x128xi16>
    %ge3A_943 = vector.broadcast %convert_element_type3A_939 : vector<1x128xi16> to vector<8192x128xi16>
    %ge3A_944 = arith.cmpi sge, %get3A_942, %ge3A_943 : vector<8192x128xi16>
    %jit3A_945 = arith.constant 1.000000e+00 : bf16
    %jit3A_946 = arith.constant 0.000000e+00 : bf16
    %broadcast_in_dim3A_947 = vector.broadcast %jit3A_945 : bf16 to vector<8192x128xbf16>
    %broadcast_in_dim3A_948 = vector.broadcast %jit3A_946 : bf16 to vector<8192x128xbf16>
    %select_n3A_949 = arith.select %ge3A_944, %broadcast_in_dim3A_947, %broadcast_in_dim3A_948 : vector<8192x128xi1>, vector<8192x128xbf16>
    %dot_general3A_950 = arith.constant dense<0.000000e+00> : vector<1x128xf32>
    %dot_general3A_951 = tpu.matmul %broadcast_in_dim3A_308, %select_n3A_949, %dot_general3A_950 {dimension_numbers = #tpu.dot_dimension_numbers<[1], [0], [0], [1], [0, 0, 1, 1], [], []>, transpose_lhs_hint = false} : vector<1x8192xbf16>, vector<8192x128xbf16>, vector<1x128xf32> -> vector<1x128xf32>
    %ge3A_952 = arith.cmpf oge, %dot_general3A_951, %sub3A_725 : vector<1x128xf32>
    %select_n3A_953 = arith.select %ge3A_952, %or3A_935, %select_n3A_930 : vector<1x128xi1>, vector<1x128xi32>
    %shift_right_logical3A_954 = arith.constant 32768 : i32
    %shift_right_logical3A_955 = arith.constant 5 : i32
    %shift_right_logical3A_956 = arith.shrui %shift_right_logical3A_954, %shift_right_logical3A_955 : i32
    %or3A_957 = vector.broadcast %shift_right_logical3A_956 : i32 to vector<1x128xi32>
    %or3A_958 = arith.ori %select_n3A_953, %or3A_957 : vector<1x128xi32>
    %xor3A_959 = arith.constant 32768 : i32
    %xor3A_960 = vector.broadcast %xor3A_959 : i32 to vector<1x128xi32>
    %xor3A_961 = arith.xori %or3A_958, %xor3A_960 : vector<1x128xi32>
    %convert_element_type3A_962 = arith.trunci %xor3A_961 : vector<1x128xi32> to vector<1x128xi16>
    %get3A_963 = arith.constant 0 : index
    %get3A_964 = arith.constant 0 : index
    %get3A_965 = vector.load %arg4[%get3A_963, %get3A_964] : memref<8192x128xi16, #tpu.memory_space<vmem>>, vector<8192x128xi16>
    %ge3A_966 = vector.broadcast %convert_element_type3A_962 : vector<1x128xi16> to vector<8192x128xi16>
    %ge3A_967 = arith.cmpi sge, %get3A_965, %ge3A_966 : vector<8192x128xi16>
    %jit3A_968 = arith.constant 1.000000e+00 : bf16
    %jit3A_969 = arith.constant 0.000000e+00 : bf16
    %broadcast_in_dim3A_970 = vector.broadcast %jit3A_968 : bf16 to vector<8192x128xbf16>
    %broadcast_in_dim3A_971 = vector.broadcast %jit3A_969 : bf16 to vector<8192x128xbf16>
    %select_n3A_972 = arith.select %ge3A_967, %broadcast_in_dim3A_970, %broadcast_in_dim3A_971 : vector<8192x128xi1>, vector<8192x128xbf16>
    %dot_general3A_973 = arith.constant dense<0.000000e+00> : vector<1x128xf32>
    %dot_general3A_974 = tpu.matmul %broadcast_in_dim3A_308, %select_n3A_972, %dot_general3A_973 {dimension_numbers = #tpu.dot_dimension_numbers<[1], [0], [0], [1], [0, 0, 1, 1], [], []>, transpose_lhs_hint = false} : vector<1x8192xbf16>, vector<8192x128xbf16>, vector<1x128xf32> -> vector<1x128xf32>
    %ge3A_975 = arith.cmpf oge, %dot_general3A_974, %sub3A_725 : vector<1x128xf32>
    %select_n3A_976 = arith.select %ge3A_975, %or3A_958, %select_n3A_953 : vector<1x128xi1>, vector<1x128xi32>
    %shift_right_logical3A_977 = arith.constant 32768 : i32
    %shift_right_logical3A_978 = arith.constant 6 : i32
    %shift_right_logical3A_979 = arith.shrui %shift_right_logical3A_977, %shift_right_logical3A_978 : i32
    %or3A_980 = vector.broadcast %shift_right_logical3A_979 : i32 to vector<1x128xi32>
    %or3A_981 = arith.ori %select_n3A_976, %or3A_980 : vector<1x128xi32>
    %xor3A_982 = arith.constant 32768 : i32
    %xor3A_983 = vector.broadcast %xor3A_982 : i32 to vector<1x128xi32>
    %xor3A_984 = arith.xori %or3A_981, %xor3A_983 : vector<1x128xi32>
    %convert_element_type3A_985 = arith.trunci %xor3A_984 : vector<1x128xi32> to vector<1x128xi16>
    %get3A_986 = arith.constant 0 : index
    %get3A_987 = arith.constant 0 : index
    %get3A_988 = vector.load %arg4[%get3A_986, %get3A_987] : memref<8192x128xi16, #tpu.memory_space<vmem>>, vector<8192x128xi16>
    %ge3A_989 = vector.broadcast %convert_element_type3A_985 : vector<1x128xi16> to vector<8192x128xi16>
    %ge3A_990 = arith.cmpi sge, %get3A_988, %ge3A_989 : vector<8192x128xi16>
    %jit3A_991 = arith.constant 1.000000e+00 : bf16
    %jit3A_992 = arith.constant 0.000000e+00 : bf16
    %broadcast_in_dim3A_993 = vector.broadcast %jit3A_991 : bf16 to vector<8192x128xbf16>
    %broadcast_in_dim3A_994 = vector.broadcast %jit3A_992 : bf16 to vector<8192x128xbf16>
    %select_n3A_995 = arith.select %ge3A_990, %broadcast_in_dim3A_993, %broadcast_in_dim3A_994 : vector<8192x128xi1>, vector<8192x128xbf16>
    %dot_general3A_996 = arith.constant dense<0.000000e+00> : vector<1x128xf32>
    %dot_general3A_997 = tpu.matmul %broadcast_in_dim3A_308, %select_n3A_995, %dot_general3A_996 {dimension_numbers = #tpu.dot_dimension_numbers<[1], [0], [0], [1], [0, 0, 1, 1], [], []>, transpose_lhs_hint = false} : vector<1x8192xbf16>, vector<8192x128xbf16>, vector<1x128xf32> -> vector<1x128xf32>
    %ge3A_998 = arith.cmpf oge, %dot_general3A_997, %sub3A_725 : vector<1x128xf32>
    %select_n3A_999 = arith.select %ge3A_998, %or3A_981, %select_n3A_976 : vector<1x128xi1>, vector<1x128xi32>
    %shift_right_logical3A_1000 = arith.constant 32768 : i32
    %shift_right_logical3A_1001 = arith.constant 7 : i32
    %shift_right_logical3A_1002 = arith.shrui %shift_right_logical3A_1000, %shift_right_logical3A_1001 : i32
    %or3A_1003 = vector.broadcast %shift_right_logical3A_1002 : i32 to vector<1x128xi32>
    %or3A_1004 = arith.ori %select_n3A_999, %or3A_1003 : vector<1x128xi32>
    %xor3A_1005 = arith.constant 32768 : i32
    %xor3A_1006 = vector.broadcast %xor3A_1005 : i32 to vector<1x128xi32>
    %xor3A_1007 = arith.xori %or3A_1004, %xor3A_1006 : vector<1x128xi32>
    %convert_element_type3A_1008 = arith.trunci %xor3A_1007 : vector<1x128xi32> to vector<1x128xi16>
    %get3A_1009 = arith.constant 0 : index
    %get3A_1010 = arith.constant 0 : index
    %get3A_1011 = vector.load %arg4[%get3A_1009, %get3A_1010] : memref<8192x128xi16, #tpu.memory_space<vmem>>, vector<8192x128xi16>
    %ge3A_1012 = vector.broadcast %convert_element_type3A_1008 : vector<1x128xi16> to vector<8192x128xi16>
    %ge3A_1013 = arith.cmpi sge, %get3A_1011, %ge3A_1012 : vector<8192x128xi16>
    %jit3A_1014 = arith.constant 1.000000e+00 : bf16
    %jit3A_1015 = arith.constant 0.000000e+00 : bf16
    %broadcast_in_dim3A_1016 = vector.broadcast %jit3A_1014 : bf16 to vector<8192x128xbf16>
    %broadcast_in_dim3A_1017 = vector.broadcast %jit3A_1015 : bf16 to vector<8192x128xbf16>
    %select_n3A_1018 = arith.select %ge3A_1013, %broadcast_in_dim3A_1016, %broadcast_in_dim3A_1017 : vector<8192x128xi1>, vector<8192x128xbf16>
    %dot_general3A_1019 = arith.constant dense<0.000000e+00> : vector<1x128xf32>
    %dot_general3A_1020 = tpu.matmul %broadcast_in_dim3A_308, %select_n3A_1018, %dot_general3A_1019 {dimension_numbers = #tpu.dot_dimension_numbers<[1], [0], [0], [1], [0, 0, 1, 1], [], []>, transpose_lhs_hint = false} : vector<1x8192xbf16>, vector<8192x128xbf16>, vector<1x128xf32> -> vector<1x128xf32>
    %ge3A_1021 = arith.cmpf oge, %dot_general3A_1020, %sub3A_725 : vector<1x128xf32>
    %select_n3A_1022 = arith.select %ge3A_1021, %or3A_1004, %select_n3A_999 : vector<1x128xi1>, vector<1x128xi32>
    %shift_right_logical3A_1023 = arith.constant 32768 : i32
    %shift_right_logical3A_1024 = arith.constant 8 : i32
    %shift_right_logical3A_1025 = arith.shrui %shift_right_logical3A_1023, %shift_right_logical3A_1024 : i32
    %or3A_1026 = vector.broadcast %shift_right_logical3A_1025 : i32 to vector<1x128xi32>
    %or3A_1027 = arith.ori %select_n3A_1022, %or3A_1026 : vector<1x128xi32>
    %xor3A_1028 = arith.constant 32768 : i32
    %xor3A_1029 = vector.broadcast %xor3A_1028 : i32 to vector<1x128xi32>
    %xor3A_1030 = arith.xori %or3A_1027, %xor3A_1029 : vector<1x128xi32>
    %convert_element_type3A_1031 = arith.trunci %xor3A_1030 : vector<1x128xi32> to vector<1x128xi16>
    %get3A_1032 = arith.constant 0 : index
    %get3A_1033 = arith.constant 0 : index
    %get3A_1034 = vector.load %arg4[%get3A_1032, %get3A_1033] : memref<8192x128xi16, #tpu.memory_space<vmem>>, vector<8192x128xi16>
    %ge3A_1035 = vector.broadcast %convert_element_type3A_1031 : vector<1x128xi16> to vector<8192x128xi16>
    %ge3A_1036 = arith.cmpi sge, %get3A_1034, %ge3A_1035 : vector<8192x128xi16>
    %jit3A_1037 = arith.constant 1.000000e+00 : bf16
    %jit3A_1038 = arith.constant 0.000000e+00 : bf16
    %broadcast_in_dim3A_1039 = vector.broadcast %jit3A_1037 : bf16 to vector<8192x128xbf16>
    %broadcast_in_dim3A_1040 = vector.broadcast %jit3A_1038 : bf16 to vector<8192x128xbf16>
    %select_n3A_1041 = arith.select %ge3A_1036, %broadcast_in_dim3A_1039, %broadcast_in_dim3A_1040 : vector<8192x128xi1>, vector<8192x128xbf16>
    %dot_general3A_1042 = arith.constant dense<0.000000e+00> : vector<1x128xf32>
    %dot_general3A_1043 = tpu.matmul %broadcast_in_dim3A_308, %select_n3A_1041, %dot_general3A_1042 {dimension_numbers = #tpu.dot_dimension_numbers<[1], [0], [0], [1], [0, 0, 1, 1], [], []>, transpose_lhs_hint = false} : vector<1x8192xbf16>, vector<8192x128xbf16>, vector<1x128xf32> -> vector<1x128xf32>
    %ge3A_1044 = arith.cmpf oge, %dot_general3A_1043, %sub3A_725 : vector<1x128xf32>
    %select_n3A_1045 = arith.select %ge3A_1044, %or3A_1027, %select_n3A_1022 : vector<1x128xi1>, vector<1x128xi32>
    %shift_right_logical3A_1046 = arith.constant 32768 : i32
    %shift_right_logical3A_1047 = arith.constant 9 : i32
    %shift_right_logical3A_1048 = arith.shrui %shift_right_logical3A_1046, %shift_right_logical3A_1047 : i32
    %or3A_1049 = vector.broadcast %shift_right_logical3A_1048 : i32 to vector<1x128xi32>
    %or3A_1050 = arith.ori %select_n3A_1045, %or3A_1049 : vector<1x128xi32>
    %xor3A_1051 = arith.constant 32768 : i32
    %xor3A_1052 = vector.broadcast %xor3A_1051 : i32 to vector<1x128xi32>
    %xor3A_1053 = arith.xori %or3A_1050, %xor3A_1052 : vector<1x128xi32>
    %convert_element_type3A_1054 = arith.trunci %xor3A_1053 : vector<1x128xi32> to vector<1x128xi16>
    %get3A_1055 = arith.constant 0 : index
    %get3A_1056 = arith.constant 0 : index
    %get3A_1057 = vector.load %arg4[%get3A_1055, %get3A_1056] : memref<8192x128xi16, #tpu.memory_space<vmem>>, vector<8192x128xi16>
    %ge3A_1058 = vector.broadcast %convert_element_type3A_1054 : vector<1x128xi16> to vector<8192x128xi16>
    %ge3A_1059 = arith.cmpi sge, %get3A_1057, %ge3A_1058 : vector<8192x128xi16>
    %jit3A_1060 = arith.constant 1.000000e+00 : bf16
    %jit3A_1061 = arith.constant 0.000000e+00 : bf16
    %broadcast_in_dim3A_1062 = vector.broadcast %jit3A_1060 : bf16 to vector<8192x128xbf16>
    %broadcast_in_dim3A_1063 = vector.broadcast %jit3A_1061 : bf16 to vector<8192x128xbf16>
    %select_n3A_1064 = arith.select %ge3A_1059, %broadcast_in_dim3A_1062, %broadcast_in_dim3A_1063 : vector<8192x128xi1>, vector<8192x128xbf16>
    %dot_general3A_1065 = arith.constant dense<0.000000e+00> : vector<1x128xf32>
    %dot_general3A_1066 = tpu.matmul %broadcast_in_dim3A_308, %select_n3A_1064, %dot_general3A_1065 {dimension_numbers = #tpu.dot_dimension_numbers<[1], [0], [0], [1], [0, 0, 1, 1], [], []>, transpose_lhs_hint = false} : vector<1x8192xbf16>, vector<8192x128xbf16>, vector<1x128xf32> -> vector<1x128xf32>
    %ge3A_1067 = arith.cmpf oge, %dot_general3A_1066, %sub3A_725 : vector<1x128xf32>
    %select_n3A_1068 = arith.select %ge3A_1067, %or3A_1050, %select_n3A_1045 : vector<1x128xi1>, vector<1x128xi32>
    %shift_right_logical3A_1069 = arith.constant 32768 : i32
    %shift_right_logical3A_1070 = arith.constant 10 : i32
    %shift_right_logical3A_1071 = arith.shrui %shift_right_logical3A_1069, %shift_right_logical3A_1070 : i32
    %or3A_1072 = vector.broadcast %shift_right_logical3A_1071 : i32 to vector<1x128xi32>
    %or3A_1073 = arith.ori %select_n3A_1068, %or3A_1072 : vector<1x128xi32>
    %xor3A_1074 = arith.constant 32768 : i32
    %xor3A_1075 = vector.broadcast %xor3A_1074 : i32 to vector<1x128xi32>
    %xor3A_1076 = arith.xori %or3A_1073, %xor3A_1075 : vector<1x128xi32>
    %convert_element_type3A_1077 = arith.trunci %xor3A_1076 : vector<1x128xi32> to vector<1x128xi16>
    %get3A_1078 = arith.constant 0 : index
    %get3A_1079 = arith.constant 0 : index
    %get3A_1080 = vector.load %arg4[%get3A_1078, %get3A_1079] : memref<8192x128xi16, #tpu.memory_space<vmem>>, vector<8192x128xi16>
    %ge3A_1081 = vector.broadcast %convert_element_type3A_1077 : vector<1x128xi16> to vector<8192x128xi16>
    %ge3A_1082 = arith.cmpi sge, %get3A_1080, %ge3A_1081 : vector<8192x128xi16>
    %jit3A_1083 = arith.constant 1.000000e+00 : bf16
    %jit3A_1084 = arith.constant 0.000000e+00 : bf16
    %broadcast_in_dim3A_1085 = vector.broadcast %jit3A_1083 : bf16 to vector<8192x128xbf16>
    %broadcast_in_dim3A_1086 = vector.broadcast %jit3A_1084 : bf16 to vector<8192x128xbf16>
    %select_n3A_1087 = arith.select %ge3A_1082, %broadcast_in_dim3A_1085, %broadcast_in_dim3A_1086 : vector<8192x128xi1>, vector<8192x128xbf16>
    %dot_general3A_1088 = arith.constant dense<0.000000e+00> : vector<1x128xf32>
    %dot_general3A_1089 = tpu.matmul %broadcast_in_dim3A_308, %select_n3A_1087, %dot_general3A_1088 {dimension_numbers = #tpu.dot_dimension_numbers<[1], [0], [0], [1], [0, 0, 1, 1], [], []>, transpose_lhs_hint = false} : vector<1x8192xbf16>, vector<8192x128xbf16>, vector<1x128xf32> -> vector<1x128xf32>
    %ge3A_1090 = arith.cmpf oge, %dot_general3A_1089, %sub3A_725 : vector<1x128xf32>
    %select_n3A_1091 = arith.select %ge3A_1090, %or3A_1073, %select_n3A_1068 : vector<1x128xi1>, vector<1x128xi32>
    %shift_right_logical3A_1092 = arith.constant 32768 : i32
    %shift_right_logical3A_1093 = arith.constant 11 : i32
    %shift_right_logical3A_1094 = arith.shrui %shift_right_logical3A_1092, %shift_right_logical3A_1093 : i32
    %or3A_1095 = vector.broadcast %shift_right_logical3A_1094 : i32 to vector<1x128xi32>
    %or3A_1096 = arith.ori %select_n3A_1091, %or3A_1095 : vector<1x128xi32>
    %xor3A_1097 = arith.constant 32768 : i32
    %xor3A_1098 = vector.broadcast %xor3A_1097 : i32 to vector<1x128xi32>
    %xor3A_1099 = arith.xori %or3A_1096, %xor3A_1098 : vector<1x128xi32>
    %convert_element_type3A_1100 = arith.trunci %xor3A_1099 : vector<1x128xi32> to vector<1x128xi16>
    %get3A_1101 = arith.constant 0 : index
    %get3A_1102 = arith.constant 0 : index
    %get3A_1103 = vector.load %arg4[%get3A_1101, %get3A_1102] : memref<8192x128xi16, #tpu.memory_space<vmem>>, vector<8192x128xi16>
    %ge3A_1104 = vector.broadcast %convert_element_type3A_1100 : vector<1x128xi16> to vector<8192x128xi16>
    %ge3A_1105 = arith.cmpi sge, %get3A_1103, %ge3A_1104 : vector<8192x128xi16>
    %jit3A_1106 = arith.constant 1.000000e+00 : bf16
    %jit3A_1107 = arith.constant 0.000000e+00 : bf16
    %broadcast_in_dim3A_1108 = vector.broadcast %jit3A_1106 : bf16 to vector<8192x128xbf16>
    %broadcast_in_dim3A_1109 = vector.broadcast %jit3A_1107 : bf16 to vector<8192x128xbf16>
    %select_n3A_1110 = arith.select %ge3A_1105, %broadcast_in_dim3A_1108, %broadcast_in_dim3A_1109 : vector<8192x128xi1>, vector<8192x128xbf16>
    %dot_general3A_1111 = arith.constant dense<0.000000e+00> : vector<1x128xf32>
    %dot_general3A_1112 = tpu.matmul %broadcast_in_dim3A_308, %select_n3A_1110, %dot_general3A_1111 {dimension_numbers = #tpu.dot_dimension_numbers<[1], [0], [0], [1], [0, 0, 1, 1], [], []>, transpose_lhs_hint = false} : vector<1x8192xbf16>, vector<8192x128xbf16>, vector<1x128xf32> -> vector<1x128xf32>
    %ge3A_1113 = arith.cmpf oge, %dot_general3A_1112, %sub3A_725 : vector<1x128xf32>
    %select_n3A_1114 = arith.select %ge3A_1113, %or3A_1096, %select_n3A_1091 : vector<1x128xi1>, vector<1x128xi32>
    %shift_right_logical3A_1115 = arith.constant 32768 : i32
    %shift_right_logical3A_1116 = arith.constant 12 : i32
    %shift_right_logical3A_1117 = arith.shrui %shift_right_logical3A_1115, %shift_right_logical3A_1116 : i32
    %or3A_1118 = vector.broadcast %shift_right_logical3A_1117 : i32 to vector<1x128xi32>
    %or3A_1119 = arith.ori %select_n3A_1114, %or3A_1118 : vector<1x128xi32>
    %xor3A_1120 = arith.constant 32768 : i32
    %xor3A_1121 = vector.broadcast %xor3A_1120 : i32 to vector<1x128xi32>
    %xor3A_1122 = arith.xori %or3A_1119, %xor3A_1121 : vector<1x128xi32>
    %convert_element_type3A_1123 = arith.trunci %xor3A_1122 : vector<1x128xi32> to vector<1x128xi16>
    %get3A_1124 = arith.constant 0 : index
    %get3A_1125 = arith.constant 0 : index
    %get3A_1126 = vector.load %arg4[%get3A_1124, %get3A_1125] : memref<8192x128xi16, #tpu.memory_space<vmem>>, vector<8192x128xi16>
    %ge3A_1127 = vector.broadcast %convert_element_type3A_1123 : vector<1x128xi16> to vector<8192x128xi16>
    %ge3A_1128 = arith.cmpi sge, %get3A_1126, %ge3A_1127 : vector<8192x128xi16>
    %jit3A_1129 = arith.constant 1.000000e+00 : bf16
    %jit3A_1130 = arith.constant 0.000000e+00 : bf16
    %broadcast_in_dim3A_1131 = vector.broadcast %jit3A_1129 : bf16 to vector<8192x128xbf16>
    %broadcast_in_dim3A_1132 = vector.broadcast %jit3A_1130 : bf16 to vector<8192x128xbf16>
    %select_n3A_1133 = arith.select %ge3A_1128, %broadcast_in_dim3A_1131, %broadcast_in_dim3A_1132 : vector<8192x128xi1>, vector<8192x128xbf16>
    %dot_general3A_1134 = arith.constant dense<0.000000e+00> : vector<1x128xf32>
    %dot_general3A_1135 = tpu.matmul %broadcast_in_dim3A_308, %select_n3A_1133, %dot_general3A_1134 {dimension_numbers = #tpu.dot_dimension_numbers<[1], [0], [0], [1], [0, 0, 1, 1], [], []>, transpose_lhs_hint = false} : vector<1x8192xbf16>, vector<8192x128xbf16>, vector<1x128xf32> -> vector<1x128xf32>
    %ge3A_1136 = arith.cmpf oge, %dot_general3A_1135, %sub3A_725 : vector<1x128xf32>
    %select_n3A_1137 = arith.select %ge3A_1136, %or3A_1119, %select_n3A_1114 : vector<1x128xi1>, vector<1x128xi32>
    %shift_right_logical3A_1138 = arith.constant 32768 : i32
    %shift_right_logical3A_1139 = arith.constant 13 : i32
    %shift_right_logical3A_1140 = arith.shrui %shift_right_logical3A_1138, %shift_right_logical3A_1139 : i32
    %or3A_1141 = vector.broadcast %shift_right_logical3A_1140 : i32 to vector<1x128xi32>
    %or3A_1142 = arith.ori %select_n3A_1137, %or3A_1141 : vector<1x128xi32>
    %xor3A_1143 = arith.constant 32768 : i32
    %xor3A_1144 = vector.broadcast %xor3A_1143 : i32 to vector<1x128xi32>
    %xor3A_1145 = arith.xori %or3A_1142, %xor3A_1144 : vector<1x128xi32>
    %convert_element_type3A_1146 = arith.trunci %xor3A_1145 : vector<1x128xi32> to vector<1x128xi16>
    %get3A_1147 = arith.constant 0 : index
    %get3A_1148 = arith.constant 0 : index
    %get3A_1149 = vector.load %arg4[%get3A_1147, %get3A_1148] : memref<8192x128xi16, #tpu.memory_space<vmem>>, vector<8192x128xi16>
    %ge3A_1150 = vector.broadcast %convert_element_type3A_1146 : vector<1x128xi16> to vector<8192x128xi16>
    %ge3A_1151 = arith.cmpi sge, %get3A_1149, %ge3A_1150 : vector<8192x128xi16>
    %jit3A_1152 = arith.constant 1.000000e+00 : bf16
    %jit3A_1153 = arith.constant 0.000000e+00 : bf16
    %broadcast_in_dim3A_1154 = vector.broadcast %jit3A_1152 : bf16 to vector<8192x128xbf16>
    %broadcast_in_dim3A_1155 = vector.broadcast %jit3A_1153 : bf16 to vector<8192x128xbf16>
    %select_n3A_1156 = arith.select %ge3A_1151, %broadcast_in_dim3A_1154, %broadcast_in_dim3A_1155 : vector<8192x128xi1>, vector<8192x128xbf16>
    %dot_general3A_1157 = arith.constant dense<0.000000e+00> : vector<1x128xf32>
    %dot_general3A_1158 = tpu.matmul %broadcast_in_dim3A_308, %select_n3A_1156, %dot_general3A_1157 {dimension_numbers = #tpu.dot_dimension_numbers<[1], [0], [0], [1], [0, 0, 1, 1], [], []>, transpose_lhs_hint = false} : vector<1x8192xbf16>, vector<8192x128xbf16>, vector<1x128xf32> -> vector<1x128xf32>
    %ge3A_1159 = arith.cmpf oge, %dot_general3A_1158, %sub3A_725 : vector<1x128xf32>
    %select_n3A_1160 = arith.select %ge3A_1159, %or3A_1142, %select_n3A_1137 : vector<1x128xi1>, vector<1x128xi32>
    %shift_right_logical3A_1161 = arith.constant 32768 : i32
    %shift_right_logical3A_1162 = arith.constant 14 : i32
    %shift_right_logical3A_1163 = arith.shrui %shift_right_logical3A_1161, %shift_right_logical3A_1162 : i32
    %or3A_1164 = vector.broadcast %shift_right_logical3A_1163 : i32 to vector<1x128xi32>
    %or3A_1165 = arith.ori %select_n3A_1160, %or3A_1164 : vector<1x128xi32>
    %xor3A_1166 = arith.constant 32768 : i32
    %xor3A_1167 = vector.broadcast %xor3A_1166 : i32 to vector<1x128xi32>
    %xor3A_1168 = arith.xori %or3A_1165, %xor3A_1167 : vector<1x128xi32>
    %convert_element_type3A_1169 = arith.trunci %xor3A_1168 : vector<1x128xi32> to vector<1x128xi16>
    %get3A_1170 = arith.constant 0 : index
    %get3A_1171 = arith.constant 0 : index
    %get3A_1172 = vector.load %arg4[%get3A_1170, %get3A_1171] : memref<8192x128xi16, #tpu.memory_space<vmem>>, vector<8192x128xi16>
    %ge3A_1173 = vector.broadcast %convert_element_type3A_1169 : vector<1x128xi16> to vector<8192x128xi16>
    %ge3A_1174 = arith.cmpi sge, %get3A_1172, %ge3A_1173 : vector<8192x128xi16>
    %jit3A_1175 = arith.constant 1.000000e+00 : bf16
    %jit3A_1176 = arith.constant 0.000000e+00 : bf16
    %broadcast_in_dim3A_1177 = vector.broadcast %jit3A_1175 : bf16 to vector<8192x128xbf16>
    %broadcast_in_dim3A_1178 = vector.broadcast %jit3A_1176 : bf16 to vector<8192x128xbf16>
    %select_n3A_1179 = arith.select %ge3A_1174, %broadcast_in_dim3A_1177, %broadcast_in_dim3A_1178 : vector<8192x128xi1>, vector<8192x128xbf16>
    %dot_general3A_1180 = arith.constant dense<0.000000e+00> : vector<1x128xf32>
    %dot_general3A_1181 = tpu.matmul %broadcast_in_dim3A_308, %select_n3A_1179, %dot_general3A_1180 {dimension_numbers = #tpu.dot_dimension_numbers<[1], [0], [0], [1], [0, 0, 1, 1], [], []>, transpose_lhs_hint = false} : vector<1x8192xbf16>, vector<8192x128xbf16>, vector<1x128xf32> -> vector<1x128xf32>
    %ge3A_1182 = arith.cmpf oge, %dot_general3A_1181, %sub3A_725 : vector<1x128xf32>
    %select_n3A_1183 = arith.select %ge3A_1182, %or3A_1165, %select_n3A_1160 : vector<1x128xi1>, vector<1x128xi32>
    %shift_right_logical3A_1184 = arith.constant 32768 : i32
    %shift_right_logical3A_1185 = arith.constant 15 : i32
    %shift_right_logical3A_1186 = arith.shrui %shift_right_logical3A_1184, %shift_right_logical3A_1185 : i32
    %or3A_1187 = vector.broadcast %shift_right_logical3A_1186 : i32 to vector<1x128xi32>
    %or3A_1188 = arith.ori %select_n3A_1183, %or3A_1187 : vector<1x128xi32>
    %xor3A_1189 = arith.constant 32768 : i32
    %xor3A_1190 = vector.broadcast %xor3A_1189 : i32 to vector<1x128xi32>
    %xor3A_1191 = arith.xori %or3A_1188, %xor3A_1190 : vector<1x128xi32>
    %convert_element_type3A_1192 = arith.trunci %xor3A_1191 : vector<1x128xi32> to vector<1x128xi16>
    %get3A_1193 = arith.constant 0 : index
    %get3A_1194 = arith.constant 0 : index
    %get3A_1195 = vector.load %arg4[%get3A_1193, %get3A_1194] : memref<8192x128xi16, #tpu.memory_space<vmem>>, vector<8192x128xi16>
    %ge3A_1196 = vector.broadcast %convert_element_type3A_1192 : vector<1x128xi16> to vector<8192x128xi16>
    %ge3A_1197 = arith.cmpi sge, %get3A_1195, %ge3A_1196 : vector<8192x128xi16>
    %jit3A_1198 = arith.constant 1.000000e+00 : bf16
    %jit3A_1199 = arith.constant 0.000000e+00 : bf16
    %broadcast_in_dim3A_1200 = vector.broadcast %jit3A_1198 : bf16 to vector<8192x128xbf16>
    %broadcast_in_dim3A_1201 = vector.broadcast %jit3A_1199 : bf16 to vector<8192x128xbf16>
    %select_n3A_1202 = arith.select %ge3A_1197, %broadcast_in_dim3A_1200, %broadcast_in_dim3A_1201 : vector<8192x128xi1>, vector<8192x128xbf16>
    %dot_general3A_1203 = arith.constant dense<0.000000e+00> : vector<1x128xf32>
    %dot_general3A_1204 = tpu.matmul %broadcast_in_dim3A_308, %select_n3A_1202, %dot_general3A_1203 {dimension_numbers = #tpu.dot_dimension_numbers<[1], [0], [0], [1], [0, 0, 1, 1], [], []>, transpose_lhs_hint = false} : vector<1x8192xbf16>, vector<8192x128xbf16>, vector<1x128xf32> -> vector<1x128xf32>
    %ge3A_1205 = arith.cmpf oge, %dot_general3A_1204, %sub3A_725 : vector<1x128xf32>
    %select_n3A_1206 = arith.select %ge3A_1205, %or3A_1188, %select_n3A_1183 : vector<1x128xi1>, vector<1x128xi32>
    %shift_left3A = arith.constant 16 : i32
    %shift_left3A_1207 = vector.broadcast %shift_left3A : i32 to vector<1x128xi32>
    %shift_left3A_1208 = arith.shli %select_n3A_708, %shift_left3A_1207 : vector<1x128xi32>
    %or3A_1209 = arith.ori %shift_left3A_1208, %select_n3A_1206 : vector<1x128xi32>
    %ge3A_1210 = arith.constant -2147483648 : i32
    %ge3A_1211 = vector.broadcast %ge3A_1210 : i32 to vector<1x128xi32>
    %ge3A_1212 = arith.cmpi uge, %or3A_1209, %ge3A_1211 : vector<1x128xi32>
    %jit3A_1213 = arith.constant -2147483648 : i32
    %jit3A_1214 = arith.constant -1 : i32
    %broadcast_in_dim3A_1215 = vector.broadcast %jit3A_1213 : i32 to vector<1x128xi32>
    %broadcast_in_dim3A_1216 = vector.broadcast %jit3A_1214 : i32 to vector<1x128xi32>
    %select_n3A_1217 = arith.select %ge3A_1212, %broadcast_in_dim3A_1215, %broadcast_in_dim3A_1216 : vector<1x128xi1>, vector<1x128xi32>
    %xor3A_1218 = arith.xori %or3A_1209, %select_n3A_1217 : vector<1x128xi32>
    %bitcast_convert_type3A_1219 = tpu.bitcast %xor3A_1218 : vector<1x128xi32> -> vector<1x128xf32>
    %broadcast_in_dim3A_1220 = vector.shape_cast %bitcast_convert_type3A_1219 : vector<1x128xf32> to vector<1x1x128xf32>
    %swap3A_1221 = arith.constant 0 : index
    %swap3A_1222 = arith.constant 0 : index
    %swap3A_1223 = arith.constant 0 : index
    %swap3A_1224 = vector.load %arg3[%swap3A_1221, %swap3A_1222, %swap3A_1223] : memref<1x1x128xf32, #tpu.memory_space<vmem>>, vector<1x1x128xf32>
    tpu.vector_store %arg3[%swap3A_1221, %swap3A_1222, %swap3A_1223], %broadcast_in_dim3A_1220 {strides = array<i32>} : memref<1x1x128xf32, #tpu.memory_space<vmem>>, vector<1x1x128xf32>,
    return
  }
  func.func @transform_0(%arg0: i32) -> (i32, i32) {
    %c0_i32 = arith.constant 0 : i32
    %c0_i32_0 = arith.constant 0 : i32
    %c0_i32_1 = arith.constant 0 : i32
    return %c0_i32, %c0_i32_0 : i32, i32
  }
  func.func @transform_1(%arg0: i32) -> (i32, i32) {
    %c0_i32 = arith.constant 0 : i32
    %c0_i32_0 = arith.constant 0 : i32
    return %c0_i32, %arg0 : i32, i32
  }
  func.func @transform_2(%arg0: i32) -> (i32, i32, i32) {
    %c0_i32 = arith.constant 0 : i32
    %c0_i32_0 = arith.constant 0 : i32
    %c0_i32_1 = arith.constant 0 : i32
    return %arg0, %c0_i32, %c0_i32_0 : i32, i32, i32
  }
}

</mosaic_0001>

<sc_bundles>
// kernel: kernel.4.cloned.1.call-start
scs
__scs_entry_jumppad:
0x0: {  	(pc) =	sbr.rel $0x88, $3  }
0x1: {  	(tag) =	ssettag $0x0;
	lr =	simm.s32 $0x1  }
0x2: {  	[smem:$0x3F9E] =	sst lr;
	_ =	strace $0xD0000000  }
0x3: {  	_ = 	snop  }
0x4: {  	_ = 	snop  }
0x5: {  	_ = 	snop  }
0x6: {  	_ = 	snop  }
0x7: {  	_ = 	snop  }
__scs_overlays_trampoline_lowered:
0x8: {  	[smem:$0x3FAD] =	sst s0  }
0x9: {  	[smem:$0x3FAE] =	sst s1  }
0xa: {  	[smem:$0x3FAF] =	sst s2  }
0xb: {  	[smem:$0x3FB0] =	sst s3  }
0xc: {  	[smem:$0x3FB1] =	sst s4  }
0xd: {  	[smem:$0x3FB2] =	sst s5  }
0xe: {  	[smem:$0x3FB3] =	sst s6  }
0xf: {  	[smem:$0x3FB4] =	sst s7  }
0x10: {  	[smem:$0x3FB5] =	sst s8  }
0x11: {  	[smem:$0x3FB6] =	sst s9;
	s0 =	simm.s32 @!p0 $0x0  }
0x12: {  	s1 =	sld [smem:$0x3F9C];
	s0 =	simm.s32 @p0 $0x1  }
0x13: {  	[smem:$0x3FB7] =	sst s0;
	s0 =	simm.s32 @!p1 $0x0  }
0x14: {  	s2 =	sld [smem:$0x3F9B];
	s0 =	simm.s32 @p1 $0x1  }
0x15: {  	[smem:$0x3FB8] =	sst s0;
	s0 =	simm.s32 @!p2 $0x0  }
0x16: {  	s3 =	sld [smem:$0x3FDB];
	s0 =	simm.s32 @p2 $0x1  }
0x17: {  	s4 =	simm.s32 $0x1BF5;
	[smem:$0x3FBA] =	sst s0  }
0x18: {  	s0 =	sld [smem:$0x3F9D];
	_ =	swait.ge [sflag:s4], $0x0  }
0x19: {  	s7 =	sld [smem:$0x3F9E]  }
0x1a: {  	s8 =	sadd.s32 $0xFFFFE003, lr  }
0x1b: {  	s9 =	sadd.s32 $0xFFFFFEF7, lr;
	s5 =	simm.s32 $0xFFFFFFFF;
	p2 =	slt.u32 s8, $0xFFFFF086  }
0x1c: {  	p1 =	slt.u32 s9, $0xF7A;
	s5 =	simm.s32 @!p2 $0x0  }
0x1d: {  	s5 =	simm.s32 @p1 $0x1;
	p0 =	seq.s32 s7, s2  }
0x1e: {  	s7 =	smul.u32 @!p0 $0xF7A, s2;
	p2 =	seq.s32 @!p0 s5, $0x0  }
0x1f: {  	s9 =	smul.u32 $0xF7A, s1;
	s8 =	simm.s32 @!p0 $0x1BF5;
	p2 =	por !p2, p0  }
0x20: {  	[sflag:s8] =	ssyncset.s32 @!p0 $0xFFFFF086;
	s6 =	sadd.s32 @!p0 s3, s7;
	s7 =	simm.s32 @!p0 $0x108  }
0x21: {  	s3 =	sadd.s32 s3, s9;
	s6 =	sadd.s32 @!p0 $0x88, s6;
	s7 =	simm.s32 @p2 $0x1082  }
0x22: {  	[simem:s7], [sflag:s8] =	dma.local @!p0 [hbm:s6], $0xF7A  }
0x23: {  	s9 =	sor.u32 $0xD0000000, s2;
	s6 =	simm.s32 $0x108;
	_ =	swait.ge @!p0 [sflag:s8], $0x0  }
0x24: {  	s3 =	sadd.s32 $0x88, s3;
	s6 =	simm.s32 @!p1 $0x1082;
	[sflag:s4] =	ssyncset.s32 $0xFFFFF086  }
0x25: {  	[simem:s6], [sflag:s4] =	dma.local [hbm:s3], $0xF7A  }
0x26: {  	[smem:$0x3F9E] =	sst s1;
	(tag) =	ssettag s2;
	_ =	strace s9  }
0x27: {  	s1 =	sld [smem:$0x3FAE]  }
0x28: {  	s2 =	sld [smem:$0x3FAF]  }
0x29: {  	s4 =	sld [smem:$0x3FB1]  }
0x2a: {  	p0 =	seq.s32 s5, $0x0;
	s5 =	sld [smem:$0x3FB2]  }
0x2b: {  	s6 =	sld [smem:$0x3FB3]  }
0x2c: {  	s7 =	sld [smem:$0x3FB4]  }
0x2d: {  	s3 =	simm.s32 $0x108;
	s8 =	sld [smem:$0x3FB5]  }
0x2e: {  	s3 =	simm.s32 @!p0 $0x1082;
	s9 =	sld [smem:$0x3FB6]  }
0x2f: {  	lr =	sadd.s32 s0, s3;
	s0 =	sld [smem:$0x3FAD]  }
0x30: {  	s3 =	sld [smem:$0x3FB0]  }
0x31: {  	[smem:$0x3FB9] =	sst s10  }
0x32: {  	s10 =	sld [smem:$0x3FB7];
	_ =	sdelay $0x3  }
0x33: {  	p0 =	seq.s32 s10, $0x1;
	s10 =	sld [smem:$0x3FB9];
	_ =	sdelay $0x3  }
0x34: {  	[smem:$0x3FB9] =	sst s10  }
0x35: {  	s10 =	sld [smem:$0x3FB8];
	_ =	sdelay $0x3  }
0x36: {  	p1 =	seq.s32 s10, $0x1;
	s10 =	sld [smem:$0x3FB9];
	_ =	sdelay $0x3  }
0x37: {  	[smem:$0x3FB9] =	sst s10  }
0x38: {  	s10 =	sld [smem:$0x3FBA]  }
0x39: {  	_ = 	snop;
	(pc) =	sbr.ind lr, $3  }
0x3a: {  	_ = 	snop  }
0x3b: {  	_ = 	snop  }
0x3c: {  	p2 =	seq.s32 s10, $0x1;
	s10 =	sld [smem:$0x3FB9]  }
0x3d: {  	_ =	shalt  }
0x3e: {  	_ =	shalt  }
0x3f: {  	_ =	shalt  }
0x40: {  	_ =	shalt  }
0x41: {  	_ =	shalt  }
0x42: {  	_ =	shalt  }
0x43: {  	_ =	shalt  }
0x44: {  	_ =	shalt  }
0x45: {  	_ =	shalt  }
0x46: {  	_ =	shalt  }
0x47: {  	_ =	shalt  }
0x48: {  	_ =	shalt  }
0x49: {  	_ =	shalt  }
0x4a: {  	_ =	shalt  }
0x4b: {  	_ =	shalt  }
0x4c: {  	_ =	shalt  }
0x4d: {  	_ =	shalt  }
0x4e: {  	_ =	shalt  }
0x4f: {  	_ =	shalt  }
0x50: {  	_ =	shalt  }
0x51: {  	_ =	shalt  }
0x52: {  	_ =	shalt  }
0x53: {  	_ =	shalt  }
0x54: {  	_ =	shalt  }
0x55: {  	_ =	shalt  }
0x56: {  	_ =	shalt  }
0x57: {  	_ =	shalt  }
0x58: {  	_ =	shalt  }
0x59: {  	_ =	shalt  }
0x5a: {  	_ =	shalt  }
0x5b: {  	_ =	shalt  }
0x5c: {  	_ =	shalt  }
0x5d: {  	_ =	shalt  }
0x5e: {  	_ =	shalt  }
0x5f: {  	_ =	shalt  }
0x60: {  	_ =	shalt  }
0x61: {  	_ =	shalt  }
0x62: {  	_ =	shalt  }
0x63: {  	_ =	shalt  }
0x64: {  	_ =	shalt  }
0x65: {  	_ =	shalt  }
0x66: {  	_ =	shalt  }
0x67: {  	_ =	shalt  }
0x68: {  	_ =	shalt  }
0x69: {  	_ =	shalt  }
0x6a: {  	_ =	shalt  }
0x6b: {  	_ =	shalt  }
0x6c: {  	_ =	shalt  }
0x6d: {  	_ =	shalt  }
0x6e: {  	_ =	shalt  }
0x6f: {  	_ =	shalt  }
0x70: {  	_ =	shalt  }
0x71: {  	_ =	shalt  }
0x72: {  	_ =	shalt  }
0x73: {  	_ =	shalt  }
0x74: {  	_ =	shalt  }
0x75: {  	_ =	shalt  }
0x76: {  	_ =	shalt  }
0x77: {  	_ =	shalt  }
0x78: {  	_ =	shalt  }
0x79: {  	_ =	shalt  }
0x7a: {  	_ =	shalt  }
0x7b: {  	_ =	shalt  }
0x7c: {  	_ =	shalt  }
0x7d: {  	_ =	shalt  }
0x7e: {  	_ =	shalt  }
0x7f: {  	_ =	shalt  }
0x80: {  	_ =	shalt  }
0x81: {  	_ =	shalt  }
0x82: {  	_ =	shalt  }
0x83: {  	_ =	shalt  }
0x84: {  	_ =	shalt  }
0x85: {  	_ =	shalt  }
0x86: {  	_ =	shalt  }
0x87: {  	_ =	shalt  }
.Lfunc_end0:
.L_simem_size_0:
called_computation_lowered:
.L_overlay_start_0:
0x88: {  	s2 =	sld [smem:$0x3FD9]  }
0x89: {  	s3 =	sld [smem:$0x3FFE];
	_ =	sdelay $0x1  }
0x8a: {  	s1 =	srdreg.scid  }
0x8b: {  	s0 =	sand.u32 $0x1, s1  }
0x8c: {  	s17 =	sshll.u32 s0, $0xA;
	s2 =	sadd.s32 s3, s2  }
0x8d: {  	s2 =	sadd.s32 s2, s17  }
0x8e: {  	[smem:$0x3FC5] =	sst s2  }
0x8f: {  	_ = 	snop  }
0x90: {  	s2 =	sld [smem:$0x3FC8];
	(tm) =	ssettm $0x1  }
0x91: {  	s18 =	sld [smem:$0x3FFB];
	_ =	sdelay $0x3  }
0x92: {  	_ =	strace s18  }
0x93: {  	s3 =	sld [smem:$0x3FFC];
	_ =	sdelay $0x3  }
0x94: {  	_ =	strace s3  }
0x95: {  	s3 =	sld [smem:$0x3FFD];
	_ =	sdelay $0x3  }
0x96: {  	_ =	strace s3  }
0x97: {  	_ =	strace $0x8FFFFFFF  }
0x98: {  	s19 =	sld [smem:$0x3FDB];
	_ =	sdelay $0x1  }
0x99: {  	s4 =	simm.s32 $_scs_section_size  }
0x9a: {  	s5 =	simm.s32 $_size__tile_overlayer_lowered;
	s6 =	simm.s32 $_tile_overlayer_lowered  }
0x9b: {  	s22 =	simm.s32 $0x1BFF;
	s21 =	sshll.u32 s6, $0x1;
	s3 =	sadd.s32 s4, s19  }
0x9c: {  	s7 =	simm.s32 $0x0;
	s20 =	sshll.u32 s5, $0x1;
	s5 =	sadd.s32 s21, s3  }
0x9d: {  	[timem:s7], [sflag:s22] =	dma.local [hbm:s5], s20  }
0x9e: {  	_ =	swait.ge [sflag:s22], s20  }
0x9f: {  	s4 =	ssub.s32 $0x0, s20;
	[sflag:s22] =	ssyncset.done $0x0  }
0xa0: {  	[sflag:s22] =	ssyncadd.s32 s4;
	_ =	sdelay $0x1  }
0xa1: {  	s23 =	simm.s32 $0x1B8B  }
0xa2: {  	_ =	swait.ge [sflag:s23], $0x1  }
0xa3: {  	[sflag:s23] =	ssyncset.done $0x0  }
0xa4: {  	s25 =	simm.s32 $0x1B8E;
	s24 =	sld [smem:$0x3FFE];
	[sflag:s23] =	ssyncadd.s32 $0xFFFFFFFF  }
0xa5: {  	s26 =	simm.s32 $execute0_lowered;
	[smem:$0x3FD2] =	sst s25  }
0xa6: {  	s5 =	sshll.u32 s26, $0x1;
	_ =	strace $0x80000046;
	[dreg:$0x1] =	wrdreg $0xFFFFFFFF  }
0xa7: {  	s28 =	simm.s32 $_size_execute0_lowered;
	s3 =	sadd.s32 s3, s5;
	[dreg:$0x0] =	wrdreg $0x0  }
0xa8: {  	s5 =	sshll.u32 s28, $0x1;
	[dreg:$0x2] =	wrdreg s3  }
0xa9: {  	[dreg:$0x3] =	wrdreg s5  }
0xaa: {  	[dreg:$0x4] =	wrdreg $0xC0  }
0xab: {  	_ =	task [dreg:s7], $0x5FFFF  }
0xac: {  	[dreg:$0x1] =	wrdreg $0xFFFFFFFF  }
0xad: {  	[dreg:$0x0] =	wrdreg $0x60  }
0xae: {  	[dreg:$0x2] =	wrdreg s24  }
0xaf: {  	[dreg:$0x3] =	wrdreg s2  }
0xb0: {  	[dreg:$0x4] =	wrdreg $0x9  }
0xb1: {  	_ =	task.clear_ibuf [dreg:s7], $0x5FFFF;
	_ =	strace $0x90000046  }
0xb2: {  	s29 =	simm.s32 $0x9;
	_ =	strace $0x80000048  }
0xb3: {  	_ =	swait.ge [sflag:s29], $0x1  }
0xb4: {  	[sflag:s29] =	ssyncadd.s32 $0xFFFFFFFF  }
0xb5: {  	_ =	strace $0x90000048  }
0xb6: {  	_ =	sfence  }
0xb7: {  	s30 =	sld [smem:$0x0];
	_ =	sdelay $0x2  }
0xb8: {  	s31 =	sshll.u32 s1, $0xD;
	s1 =	sshrl.u32 s1, $0x2  }
0xb9: {  	s3 =	sand.u32 $0x4000, s31;
	s1 =	sadd.s32 s1, s30  }
0xba: {  	s0 =	sor.u32 s3, s0;
	s1 =	sshll.u32 s1, $0x11  }
0xbb: {  	s0 =	sor.u32 s1, s0  }
0xbc: {  	s0 =	sadd.s32 $0x8F2B, s0  }
0xbd: {  	[sflag:s0] =	ssyncadd.remote.s32 $0x1  }
0xbe: {  	_ =	sfence.sel $0xFFFF  }
0xbf: {  	[dreg:$0x0] =	wrdreg $0xFFFFFFFF;
	(pc) =	sbr.abs _section_cstart, $3  }
0xc0: {  	[dreg:$0x1] =	wrdreg $0xFFFFFFFF  }
0xc1: {  	_ =	task.clear_ibuf [dreg:s7], $0x2FFFF;
	_ =	strace $0x9FFFFFFF  }
0xc2: {  	(tm) =	ssettm $0x7FFFFFFF  }
0xc3: {  	_ =	shalt  }
tec
execute0_lowered:
.L_overlay_start_1:
0x0: {  	(tag) =	ssettag $0x1  }
0x1: {  	s0 =	srdreg.scid  }
0x2: {  	s5 =	sand.u32 $0x1, s0;
	s0 =	stileid.u32  }
0x3: {  	s2 =	sor.u32 s0, s5  }
0x4: {  	p0 =	sne.s32 s2, $0x0  }
.Ltmp0:
0x5: {  	_ = 	snop;
	(pc) =	sbr.rel @p0 .LBB2_4-.Ltmp0, $4  }
0x6: {  	_ = 	snop  }
0x7: {  	s4 =	rddreg [dreg:$0x0]  }
0x8: {  	s6 =	rddreg [dreg:$0x1]  }
0x9: {  	s1 =	rddreg [dreg:$0x2];
	_ =	strace $0x80000047  }
0xa: {  	s3 =	simm.s32 $0x0;
	s2 =	simm.s32 $0x2  }
0xb: {  	[tilespmem:s3], [sflag:$0x2] =	stream.linear.gather [hbm4b:s6+s3], $0x80, $0x38;
	[tilespmem:$0x580] =	vst v63  }
0xc: {  	_ =	swait.ge [sflag:s2], $0x80  }
0xd: {  	[sflag:s2] =	ssyncset.done $0x0  }
0xe: {  	[sflag:s2] =	ssyncadd.s32 $0xFFFFFF80  }
0xf: {  	v3 =	vld [tilespmem:$0x30]  }
0x10: {  	v0 =	vlaneseq.u32;
	v4 =	vld [tilespmem:$0x20]  }
0x11: {  	v0 =	vmul.u32 $0x2000, v0;
	v5 =	vld [tilespmem:$0x0]  }
0x12: {  	v6 =	vld [tilespmem:$0x10]  }
0x13: {  	v1 =	vor.u32 $0x60000, v0  }
0x14: {  	v2 =	vor.u32 $0x40000, v0;
	v3 =	vadd.s32 v1, v3  }
0x15: {  	v4 =	vadd.s32 v2, v4;
	[tilespmem:$0x30] =	vst v3  }
0x16: {  	v5 =	vadd.s32 v0, v5;
	v3 =	vor.u32 $0x20000, v0;
	[tilespmem:$0x20] =	vst v4  }
0x17: {  	s7 =	sadd.s32 $0x400, s4;
	[tilespmem:$0x0] =	vst v5;
	v4 =	vadd.s32 v3, v6  }
0x18: {  	s8 =	simm.s32 $0x40;
	s9 =	simm.s32 $0x80;
	s10 =	simm.s32 $0x1;
	[tilespmem:$0x10] =	vst v4  }
0x19: {  	[tilespmem:s9], [sflag:$0x1] =	stream.indirect.gather [hbm4b:s7+s8], $0x1, s3, s8, $0xb8;
	[tilespmem:$0x580] =	vst v63  }
0x1a: {  	_ =	swait.ge [sflag:s10], $0x40  }
0x1b: {  	[sflag:s10] =	ssyncset.done $0x0  }
0x1c: {  	s11 =	sadd.s32 $0x10400, s4;
	s12 =	simm.s32 $0x100;
	[sflag:s10] =	ssyncadd.s32 $0xFFFFFFC0  }
0x1d: {  	[tilespmem:s12], [sflag:$0x2] =	stream.linear.gather [hbm4b:s11+s3], $0x400, $0x38;
	[tilespmem:$0x580] =	vst v63  }
0x1e: {  	_ =	swait.ge [sflag:s2], $0x400  }
0x1f: {  	[sflag:s2] =	ssyncset.done $0x0  }
0x20: {  	[sflag:s2] =	ssyncadd.s32 $0xFFFFFC00  }
0x21: {  	v4 =	vld [tilespmem:$0x4C0]  }
0x22: {  	v5 =	vld [tilespmem:$0x490]  }
0x23: {  	v30 =	vld [tilespmem:$0x140]  }
0x24: {  	v32 =	vld [tilespmem:$0x150]  }
0x25: {  	v28 =	vld [tilespmem:$0x180]  }
0x26: {  	v31 =	vld [tilespmem:$0x190]  }
0x27: {  	v26 =	vld [tilespmem:$0x1C0]  }
0x28: {  	v29 =	vld [tilespmem:$0x1D0]  }
0x29: {  	v24 =	vld [tilespmem:$0x200]  }
0x2a: {  	v27 =	vld [tilespmem:$0x210]  }
0x2b: {  	v22 =	vld [tilespmem:$0x240]  }
0x2c: {  	v25 =	vld [tilespmem:$0x250]  }
0x2d: {  	v20 =	vld [tilespmem:$0x280]  }
0x2e: {  	v23 =	vld [tilespmem:$0x290]  }
0x2f: {  	v18 =	vld [tilespmem:$0x2C0]  }
0x30: {  	v21 =	vld [tilespmem:$0x2D0]  }
0x31: {  	v16 =	vld [tilespmem:$0x300]  }
0x32: {  	v19 =	vld [tilespmem:$0x310]  }
0x33: {  	v14 =	vld [tilespmem:$0x340]  }
0x34: {  	v17 =	vld [tilespmem:$0x350]  }
0x35: {  	v12 =	vld [tilespmem:$0x380]  }
0x36: {  	v15 =	vld [tilespmem:$0x390]  }
0x37: {  	v10 =	vld [tilespmem:$0x3C0]  }
0x38: {  	v13 =	vld [tilespmem:$0x3D0]  }
0x39: {  	v8 =	vld [tilespmem:$0x400]  }
0x3a: {  	v11 =	vld [tilespmem:$0x410]  }
0x3b: {  	v7 =	vld [tilespmem:$0x440]  }
0x3c: {  	s5 =	ssub.s32 $0x2, s5;
	v9 =	vld [tilespmem:$0x450]  }
0x3d: {  	s13 =	sshrl.u32 s5, $0x1;
	v6 =	vld [tilespmem:$0x480]  }
0x3e: {  	s13 =	ssub.s32 s5, s13;
	v35 =	vld [tilespmem:$0x120]  }
0x3f: {  	p0 =	sne.s32 s13, $0x1;
	v37 =	vld [tilespmem:$0x110]  }
.Ltmp1:
0x40: {  	v38 =	vld [tilespmem:$0x100];
	(pc) =	sbr.rel @!p0 .LBB2_3-.Ltmp1, $4  }
0x41: {  	v36 =	vld [tilespmem:$0x130]  }
0x42: {  	v33 =	vld [tilespmem:$0x1B0]  }
0x43: {  	v34 =	vld [tilespmem:$0x170]  }
0x44: {  	s4 =	sadd.s32 $0x10600, s4;
	s5 =	simm.s32 $0x500;
	s13 =	sadd.s32 $0xFFFFFFFF, s13;
	v35 =	vadd.f32 $0.0e+00, v35;
	v39 =	vadd.f32 $0.0e+00, v37;
	v37 =	vld [tilespmem:$0x160]  }
.LBB2_2:
0x45: {  	p0 =	sne.s32 s13, $0x1;
	s13 =	sadd.s32 $0xFFFFFFFF, s13;
	v38 =	vadd.f32 $0.0e+00, v38;
	v40 =	vld [tilespmem:$0x4B0]  }
0x46: {  	v32 =	vadd.f32 v32, v39;
	v39 =	vld [tilespmem:$0x1A0];
	v36 =	vadd.f32 $0.0e+00, v36  }
0x47: {  	v30 =	vadd.f32 v30, v38;
	v38 =	vld [tilespmem:$0x1F0]  }
0x48: {  	v31 =	vadd.f32 v31, v32;
	v32 =	vld [tilespmem:$0x1E0];
	v34 =	vadd.f32 v34, v36  }
0x49: {  	v28 =	vadd.f32 v28, v30;
	v30 =	vadd.f32 v37, v35;
	v35 =	vld [tilespmem:$0x230]  }
0x4a: {  	v29 =	vadd.f32 v29, v31;
	v31 =	vld [tilespmem:$0x220];
	v33 =	vadd.f32 v33, v34  }
0x4b: {  	v26 =	vadd.f32 v26, v28;
	v28 =	vadd.f32 v39, v30;
	v30 =	vld [tilespmem:$0x270]  }
0x4c: {  	v27 =	vadd.f32 v27, v29;
	v29 =	vld [tilespmem:$0x260];
	v33 =	vadd.f32 v38, v33  }
0x4d: {  	v24 =	vadd.f32 v24, v26;
	v26 =	vadd.f32 v32, v28;
	v28 =	vld [tilespmem:$0x2B0]  }
0x4e: {  	v25 =	vadd.f32 v25, v27;
	v27 =	vld [tilespmem:$0x2A0];
	v32 =	vadd.f32 v35, v33  }
0x4f: {  	v22 =	vadd.f32 v22, v24;
	v24 =	vadd.f32 v31, v26;
	v26 =	vld [tilespmem:$0x2F0]  }
0x50: {  	v23 =	vadd.f32 v23, v25;
	v25 =	vld [tilespmem:$0x2E0];
	v30 =	vadd.f32 v30, v32  }
0x51: {  	v20 =	vadd.f32 v20, v22;
	v22 =	vadd.f32 v29, v24;
	v24 =	vld [tilespmem:$0x330]  }
0x52: {  	v21 =	vadd.f32 v21, v23;
	v23 =	vld [tilespmem:$0x320];
	v28 =	vadd.f32 v28, v30  }
0x53: {  	v18 =	vadd.f32 v18, v20;
	v20 =	vadd.f32 v27, v22;
	v22 =	vld [tilespmem:$0x370]  }
0x54: {  	v19 =	vadd.f32 v19, v21;
	v21 =	vld [tilespmem:$0x360];
	v26 =	vadd.f32 v26, v28  }
0x55: {  	v16 =	vadd.f32 v16, v18;
	v18 =	vadd.f32 v25, v20;
	v20 =	vld [tilespmem:$0x3B0]  }
0x56: {  	v17 =	vadd.f32 v17, v19;
	v19 =	vld [tilespmem:$0x3A0];
	v24 =	vadd.f32 v24, v26  }
0x57: {  	v14 =	vadd.f32 v14, v16;
	v16 =	vadd.f32 v23, v18;
	v18 =	vld [tilespmem:$0x3F0]  }
0x58: {  	v15 =	vadd.f32 v15, v17;
	v17 =	vld [tilespmem:$0x3E0];
	v22 =	vadd.f32 v22, v24  }
0x59: {  	v12 =	vadd.f32 v12, v14;
	v14 =	vadd.f32 v21, v16;
	v16 =	vld [tilespmem:$0x430]  }
0x5a: {  	v13 =	vadd.f32 v13, v15;
	v15 =	vld [tilespmem:$0x420];
	v20 =	vadd.f32 v20, v22  }
0x5b: {  	v10 =	vadd.f32 v10, v12;
	v12 =	vadd.f32 v19, v14;
	v14 =	vld [tilespmem:$0x470]  }
0x5c: {  	v11 =	vadd.f32 v11, v13;
	v13 =	vld [tilespmem:$0x460];
	v18 =	vadd.f32 v18, v20  }
0x5d: {  	v8 =	vadd.f32 v8, v10;
	v10 =	vld [tilespmem:$0x4D0];
	v12 =	vadd.f32 v17, v12  }
0x5e: {  	v9 =	vadd.f32 v9, v11;
	v11 =	vld [tilespmem:$0x4A0];
	v16 =	vadd.f32 v16, v18  }
0x5f: {  	v7 =	vadd.f32 v7, v8;
	v8 =	vadd.f32 v15, v12;
	v12 =	vld [tilespmem:$0x4F0]  }
0x60: {  	v5 =	vadd.f32 v5, v9;
	v9 =	vld [tilespmem:$0x4E0];
	v14 =	vadd.f32 v14, v16  }
0x61: {  	v6 =	vadd.f32 v6, v7;
	v7 =	vadd.f32 v13, v8  }
0x62: {  	v5 =	vadd.f32 v10, v5;
	v8 =	vadd.f32 v40, v14  }
0x63: {  	v4 =	vadd.f32 v4, v6;
	v6 =	vld [tilespmem:$0x90];
	v7 =	vadd.f32 v11, v7  }
0x64: {  	v10 =	vld [tilespmem:$0x80];
	v5 =	vmul.f32 $6.250000000e-02, v5;
	v8 =	vadd.f32 v12, v8  }
0x65: {  	v4 =	vmul.f32 $6.250000000e-02, v4;
	v7 =	vadd.f32 v9, v7;
	v9 =	vld [tilespmem:$0xB0]  }
0x66: {  	v5 =	vadd.f32 $1.000000000e+00, v5;
	v11 =	vld [tilespmem:$0xA0];
	v8 =	vmul.f32 $6.250000000e-02, v8  }
0x67: {  	v4 =	vadd.f32 $1.000000000e+00, v4;
	v7 =	vmul.f32 $6.250000000e-02, v7  }
0x68: {  	v5 =	vsub.f32 v5, v6;
	v6 =	vadd.f32 $1.000000000e+00, v8  }
0x69: {  	v4 =	vsub.f32 v4, v10;
	v7 =	vadd.f32 $1.000000000e+00, v7  }
0x6a: {  	v6 =	vsub.f32 v6, v9  }
0x6b: {  	v5 =	vmax.f32 v5, $0.0e+00;
	v4 =	vmax.f32 v4, $0.0e+00;
	v7 =	vsub.f32 v7, v11  }
0x6c: {  	v4 =	vadd.f32 v5, v4  }
0x6d: {  	v5 =	vmax.f32 v7, $0.0e+00  }
0x6e: {  	v4 =	vadd.f32 v5, v4  }
0x6f: {  	v5 =	vmax.f32 v6, $0.0e+00  }
0x70: {  	v4 =	vadd.f32 v5, v4;
	_ =	sdelay $0x1  }
0x71: {  	v4 =	vmul.f32 $1.562500000e-02, v4;
	_ =	sdelay $0x1  }
0x72: {  	[tilespmem:$0x500] =	vst v4  }
0x73: {  	[hbm4b:s4+s3] =	stream.linear.scatter [tilespmem:s5], [sflag:$0x2], $0x80, $0x38;
	[tilespmem:$0x580] =	vst v63  }
0x74: {  	_ =	swait.ge [sflag:s2], $0x80  }
0x75: {  	[sflag:s2] =	ssyncset.done $0x0  }
0x76: {  	[sflag:s2] =	ssyncadd.s32 $0xFFFFFF80  }
0x77: {  	[tilespmem:s3], [sflag:$0x2] =	stream.linear.gather [hbm4b:s6+s3], $0x80, $0x38;
	[tilespmem:$0x580] =	vst v63  }
0x78: {  	_ =	swait.ge [sflag:s2], $0x80  }
0x79: {  	[sflag:s2] =	ssyncset.done $0x0  }
0x7a: {  	[sflag:s2] =	ssyncadd.s32 $0xFFFFFF80  }
0x7b: {  	v4 =	vld [tilespmem:$0x30]  }
0x7c: {  	v5 =	vld [tilespmem:$0x20]  }
0x7d: {  	v6 =	vld [tilespmem:$0x0]  }
0x7e: {  	v7 =	vld [tilespmem:$0x10];
	_ =	sdelay $0x1  }
0x7f: {  	v4 =	vadd.s32 v1, v4  }
0x80: {  	v5 =	vadd.s32 v2, v5;
	[tilespmem:$0x30] =	vst v4  }
0x81: {  	v4 =	vadd.s32 v0, v6;
	[tilespmem:$0x20] =	vst v5  }
0x82: {  	[tilespmem:$0x0] =	vst v4;
	v4 =	vadd.s32 v3, v7  }
0x83: {  	[tilespmem:$0x10] =	vst v4  }
0x84: {  	[tilespmem:s9], [sflag:$0x1] =	stream.indirect.gather [hbm4b:s7+s8], $0x1, s3, s8, $0xb8;
	[tilespmem:$0x580] =	vst v63  }
0x85: {  	_ =	swait.ge [sflag:s10], $0x40  }
0x86: {  	[sflag:s10] =	ssyncset.done $0x0  }
0x87: {  	[sflag:s10] =	ssyncadd.s32 $0xFFFFFFC0  }
0x88: {  	[tilespmem:s12], [sflag:$0x2] =	stream.linear.gather [hbm4b:s11+s3], $0x400, $0x38;
	[tilespmem:$0x580] =	vst v63  }
0x89: {  	_ =	swait.ge [sflag:s2], $0x400  }
0x8a: {  	[sflag:s2] =	ssyncset.done $0x0  }
0x8b: {  	[sflag:s2] =	ssyncadd.s32 $0xFFFFFC00  }
0x8c: {  	v4 =	vld [tilespmem:$0x4C0]  }
0x8d: {  	v5 =	vld [tilespmem:$0x490]  }
0x8e: {  	v30 =	vld [tilespmem:$0x140]  }
0x8f: {  	v32 =	vld [tilespmem:$0x150]  }
0x90: {  	v28 =	vld [tilespmem:$0x180]  }
0x91: {  	v31 =	vld [tilespmem:$0x190]  }
0x92: {  	v26 =	vld [tilespmem:$0x1C0]  }
0x93: {  	v29 =	vld [tilespmem:$0x1D0]  }
0x94: {  	v24 =	vld [tilespmem:$0x200]  }
0x95: {  	v27 =	vld [tilespmem:$0x210]  }
0x96: {  	v22 =	vld [tilespmem:$0x240]  }
0x97: {  	v25 =	vld [tilespmem:$0x250]  }
0x98: {  	v20 =	vld [tilespmem:$0x280]  }
0x99: {  	v23 =	vld [tilespmem:$0x290]  }
0x9a: {  	v18 =	vld [tilespmem:$0x2C0]  }
0x9b: {  	v21 =	vld [tilespmem:$0x2D0]  }
0x9c: {  	v16 =	vld [tilespmem:$0x300]  }
0x9d: {  	v19 =	vld [tilespmem:$0x310]  }
0x9e: {  	v14 =	vld [tilespmem:$0x340]  }
0x9f: {  	v17 =	vld [tilespmem:$0x350]  }
0xa0: {  	v12 =	vld [tilespmem:$0x380]  }
0xa1: {  	v15 =	vld [tilespmem:$0x390]  }
0xa2: {  	v10 =	vld [tilespmem:$0x3C0]  }
0xa3: {  	v13 =	vld [tilespmem:$0x3D0]  }
0xa4: {  	v8 =	vld [tilespmem:$0x400]  }
0xa5: {  	v11 =	vld [tilespmem:$0x410]  }
0xa6: {  	v7 =	vld [tilespmem:$0x440]  }
0xa7: {  	v9 =	vld [tilespmem:$0x450]  }
0xa8: {  	v6 =	vld [tilespmem:$0x480]  }
0xa9: {  	v34 =	vld [tilespmem:$0x120]  }
0xaa: {  	v37 =	vld [tilespmem:$0x110]  }
.Ltmp2:
0xab: {  	v38 =	vld [tilespmem:$0x100];
	(pc) =	sbr.rel @p0 .LBB2_2-.Ltmp2, $4  }
0xac: {  	v36 =	vld [tilespmem:$0x130]  }
0xad: {  	v33 =	vld [tilespmem:$0x1B0]  }
0xae: {  	v35 =	vadd.f32 $0.0e+00, v34;
	v34 =	vld [tilespmem:$0x170]  }
0xaf: {  	v39 =	vadd.f32 $0.0e+00, v37;
	v37 =	vld [tilespmem:$0x160]  }
.LBB2_3:
0xb0: {  	v0 =	vadd.f32 $0.0e+00, v38  }
0xb1: {  	v2 =	vld [tilespmem:$0x1A0];
	v1 =	vadd.f32 v32, v39  }
0xb2: {  	v3 =	vld [tilespmem:$0x1F0];
	v0 =	vadd.f32 v30, v0  }
0xb3: {  	v61 =	vld [tilespmem:$0x1E0];
	v60 =	vadd.f32 $0.0e+00, v36;
	v1 =	vadd.f32 v31, v1  }
0xb4: {  	v63 =	vld [tilespmem:$0x230];
	v0 =	vadd.f32 v28, v0;
	v62 =	vadd.f32 v37, v35  }
0xb5: {  	v30 =	vadd.f32 v34, v60;
	v34 =	vld [tilespmem:$0x220];
	v1 =	vadd.f32 v29, v1  }
0xb6: {  	v38 =	vld [tilespmem:$0x2B0];
	v0 =	vadd.f32 v26, v0;
	v2 =	vadd.f32 v2, v62  }
0xb7: {  	v37 =	vld [tilespmem:$0x260];
	v36 =	vadd.f32 v33, v30;
	v1 =	vadd.f32 v27, v1  }
0xb8: {  	v35 =	vld [tilespmem:$0x270];
	v0 =	vadd.f32 v24, v0;
	v2 =	vadd.f32 v61, v2  }
0xb9: {  	v39 =	vld [tilespmem:$0x2A0];
	v3 =	vadd.f32 v3, v36;
	v1 =	vadd.f32 v25, v1  }
0xba: {  	v40 =	vld [tilespmem:$0x2F0];
	v0 =	vadd.f32 v22, v0;
	v2 =	vadd.f32 v34, v2  }
0xbb: {  	v41 =	vld [tilespmem:$0x2E0];
	v3 =	vadd.f32 v63, v3;
	v1 =	vadd.f32 v23, v1  }
0xbc: {  	v42 =	vld [tilespmem:$0x330];
	v0 =	vadd.f32 v20, v0;
	v2 =	vadd.f32 v37, v2  }
0xbd: {  	v43 =	vld [tilespmem:$0x320];
	v3 =	vadd.f32 v35, v3;
	v1 =	vadd.f32 v21, v1  }
0xbe: {  	v44 =	vld [tilespmem:$0x370];
	v0 =	vadd.f32 v18, v0;
	v2 =	vadd.f32 v39, v2  }
0xbf: {  	v45 =	vld [tilespmem:$0x360];
	v3 =	vadd.f32 v38, v3;
	v1 =	vadd.f32 v19, v1  }
0xc0: {  	v46 =	vld [tilespmem:$0x3B0];
	v0 =	vadd.f32 v16, v0;
	v2 =	vadd.f32 v41, v2  }
0xc1: {  	v47 =	vld [tilespmem:$0x3A0];
	v3 =	vadd.f32 v40, v3;
	v1 =	vadd.f32 v17, v1  }
0xc2: {  	v48 =	vld [tilespmem:$0x3F0];
	v0 =	vadd.f32 v14, v0;
	v2 =	vadd.f32 v43, v2  }
0xc3: {  	v49 =	vld [tilespmem:$0x3E0];
	v3 =	vadd.f32 v42, v3;
	v1 =	vadd.f32 v15, v1  }
0xc4: {  	v50 =	vld [tilespmem:$0x430];
	v0 =	vadd.f32 v12, v0;
	v2 =	vadd.f32 v45, v2  }
0xc5: {  	v51 =	vld [tilespmem:$0x420];
	v3 =	vadd.f32 v44, v3;
	v1 =	vadd.f32 v13, v1  }
0xc6: {  	v52 =	vld [tilespmem:$0x470];
	v0 =	vadd.f32 v10, v0;
	v2 =	vadd.f32 v47, v2  }
0xc7: {  	v53 =	vld [tilespmem:$0x460];
	v3 =	vadd.f32 v46, v3;
	v1 =	vadd.f32 v11, v1  }
0xc8: {  	v54 =	vld [tilespmem:$0x4D0];
	v0 =	vadd.f32 v8, v0;
	v2 =	vadd.f32 v49, v2  }
0xc9: {  	v55 =	vld [tilespmem:$0x4A0];
	v3 =	vadd.f32 v48, v3;
	v1 =	vadd.f32 v9, v1  }
0xca: {  	v56 =	vld [tilespmem:$0x4B0];
	v0 =	vadd.f32 v7, v0;
	v2 =	vadd.f32 v51, v2  }
0xcb: {  	v57 =	vld [tilespmem:$0x4E0];
	v3 =	vadd.f32 v50, v3;
	v1 =	vadd.f32 v5, v1  }
0xcc: {  	v58 =	vld [tilespmem:$0x4F0];
	v0 =	vadd.f32 v6, v0;
	v2 =	vadd.f32 v53, v2  }
0xcd: {  	v3 =	vadd.f32 v52, v3;
	v1 =	vadd.f32 v54, v1  }
0xce: {  	v59 =	vld [tilespmem:$0x90];
	v0 =	vadd.f32 v4, v0;
	v2 =	vadd.f32 v55, v2  }
0xcf: {  	v60 =	vld [tilespmem:$0x80];
	v3 =	vadd.f32 v56, v3;
	v1 =	vmul.f32 $6.250000000e-02, v1  }
0xd0: {  	v0 =	vmul.f32 $6.250000000e-02, v0;
	v2 =	vadd.f32 v57, v2  }
0xd1: {  	v61 =	vld [tilespmem:$0xA0];
	v3 =	vadd.f32 v58, v3;
	v1 =	vadd.f32 $1.000000000e+00, v1  }
0xd2: {  	v0 =	vadd.f32 $1.000000000e+00, v0;
	v2 =	vmul.f32 $6.250000000e-02, v2  }
0xd3: {  	v62 =	vld [tilespmem:$0xB0];
	v3 =	vmul.f32 $6.250000000e-02, v3;
	v1 =	vsub.f32 v1, v59  }
0xd4: {  	v0 =	vsub.f32 v0, v60;
	v2 =	vadd.f32 $1.000000000e+00, v2  }
0xd5: {  	v3 =	vadd.f32 $1.000000000e+00, v3  }
0xd6: {  	v1 =	vmax.f32 v1, $0.0e+00;
	v0 =	vmax.f32 v0, $0.0e+00;
	v2 =	vsub.f32 v2, v61  }
0xd7: {  	v0 =	vadd.f32 v1, v0  }
0xd8: {  	v63 =	vsub.f32 v3, v62;
	v2 =	vmax.f32 v2, $0.0e+00  }
0xd9: {  	v0 =	vadd.f32 v2, v0  }
0xda: {  	v1 =	vmax.f32 v63, $0.0e+00  }
0xdb: {  	v0 =	vadd.f32 v1, v0;
	_ =	sdelay $0x1  }
0xdc: {  	v0 =	vmul.f32 $1.562500000e-02, v0;
	_ =	sdelay $0x1  }
0xdd: {  	[tilespmem:$0x500] =	vst v0  }
0xde: {  	[hbm4b:s4+s3] =	stream.linear.scatter [tilespmem:s5], [sflag:$0x2], $0x80, $0x38;
	[tilespmem:$0x580] =	vst v63  }
0xdf: {  	_ =	swait.ge [sflag:s2], $0x80  }
0xe0: {  	[sflag:s2] =	ssyncset.done $0x0  }
0xe1: {  	[sflag:s2] =	ssyncadd.s32 $0xFFFFFF80  }
.LBB2_4:
0xe2: {  	_ =	sfence.sel $0x180000  }
0xe3: {  	[bflag:$0x0] =	sbarrier.arrive $0xFFFF  }
0xe4: {  	p0 =	sne.s32 s0, $0x0;
	_ =	strace $0x90000047  }
0xe5: {  	s0 =	sadd.s32 @!p0 $0x100000, s1;
	[bflag:$0x2] =	sbarrier.arrive $0xFFFF  }
0xe6: {  	[sflag:s0] =	ssyncadd.tile.s32 @!p0 $0x1;
	_ =	shalt  }
.Lfunc_end2:
_tile_overlayer_lowered:
.L_overlay_start_2:
0xe7: {  	(tag) =	ssettag $0x2  }
0xe8: {  	s0 =	rddreg [dreg:$0x0];
	s2 =	stileid.u32  }
0xe9: {  	s1 =	rddreg [dreg:$0x1];
	p0 =	sne.s32 s2, $0x0  }
0xea: {  	s3 =	rddreg [dreg:$0x2];
	[bflag:$0x3] =	sbarrier.arrive $0xFFFF;
	s2 =	simm.s32 @!p0 $0x1C02  }
0xeb: {  	[timem:s3], [sflag:s2] =	dma.local @!p0 [hbm:s0], s1  }
0xec: {  	s0 =	simm.s32 @!p0 $0x2  }
0xed: {  	_ =	swait.ge @!p0 [sflag:s0], s1  }
0xee: {  	s1 =	ssub.s32 @!p0 $0x0, s1;
	[sflag:s0] =	ssyncset.done @!p0 $0x0  }
0xef: {  	[sflag:s0] =	ssyncadd.s32 @!p0 s1  }
0xf0: {  	[bflag:$0x3] =	sbarrier.arrive $0xFFFF  }
0xf1: {  	_ =	shalt  }

</sc_bundles>
